<compile_context>
chip_gen: v7x
topology: tpu7x:2x2x1
jax: 0.10.2.dev20260603
libtpu: 0.0.44.dev20260713+nightly
codegen_flags: <defaults>
</compile_context>

<pallas_src>
import functools

import jax
import jax.numpy as jnp
from jax import lax
from jax.experimental import pallas as pl
from jax.experimental.pallas import tpu as pltpu
from jax.experimental.pallas import tpu_sc as plsc

CB = 8192
D = 256
TM = 512
FM = 1024
NC = 2
NS = 16
NW = NC * NS
BPW = CB // NW
COMMIT = 0.25


def _dist_body(zsq_ref, csq_ref, flat_ref, cb_ref, dist_ref, idx_ref):
    flat = flat_ref[...]
    cb = cb_ref[...]
    dot = lax.dot_general(flat, cb, (((1,), (1,)), ((), ())),
                          preferred_element_type=jnp.float32)
    d = (zsq_ref[...] - 2.0 * dot) + csq_ref[...]
    dist_ref[...] = d[None]
    idx_ref[...] = jnp.argmin(d, axis=1).astype(jnp.int32)


def _distances_pallas(zsq, csq, flat, codebook, batch, n):
    npb = n // TM
    return pl.pallas_call(
        _dist_body,
        grid=(CB // TM,),
        in_specs=[
            pl.BlockSpec((TM, 1), lambda m: (m, 0)),
            pl.BlockSpec((1, CB), lambda m: (0, 0)),
            pl.BlockSpec((TM, D), lambda m: (m, 0)),
            pl.BlockSpec((CB, D), lambda m: (0, 0)),
        ],
        out_specs=[
            pl.BlockSpec((1, TM, CB), lambda m: (m // npb, m % npb, 0)),
            pl.BlockSpec((TM,), lambda m: (m,)),
        ],
        out_shape=[
            jax.ShapeDtypeStruct((batch, n, CB), jnp.float32),
            jax.ShapeDtypeStruct((CB,), jnp.int32),
        ],
        compiler_params=pltpu.CompilerParams(
            vmem_limit_bytes=100 * 1024 * 1024,
        ),
    )(zsq, csq, flat, codebook)


CH = 128
NCHUNK = BPW // CH


def _sc_body(cb_hbm, idx_hbm, z_hbm, zq_hbm, counts_hbm, sq_hbm,
             idx_v, q_v, z_v, counts_v, acc_v, sem):
    wid = lax.axis_index("s") * NC + lax.axis_index("c")
    base = wid * BPW
    pltpu.sync_copy(idx_hbm.at[pl.ds(base, BPW)], idx_v)

    def _zero(i, carry):
        counts_v[pl.ds(i * 16, 16)] = jnp.zeros((16,), jnp.float32)
        return carry
    lax.fori_loop(0, CB // 16, _zero, 0)

    ones = jnp.ones((16,), jnp.float32)

    def _hist(i, carry):
        iv = idx_v[pl.ds(i * 16, 16)]
        plsc.addupdate_scatter(counts_v, [iv], ones)
        return carry
    lax.fori_loop(0, BPW // 16, _hist, 0)
    pltpu.sync_copy(counts_v, counts_hbm.at[wid])

    acc = jnp.zeros((16,), jnp.float32)
    for c in range(NCHUNK):
        row0 = base + c * CH
        pltpu.async_copy(cb_hbm.at[idx_v.at[pl.ds(c * CH, CH)]], q_v, sem).wait()
        pltpu.sync_copy(z_hbm.at[pl.ds(row0, CH)], z_v)

        def _ew(r, a):
            for j in range(D // 16):
                sl = pl.ds(j * 16, 16)
                zv = z_v[r, sl]
                qv = q_v[r, sl]
                diff = qv - zv
                q_v[r, sl] = zv + diff
                a = a + diff * diff
            return a
        acc = lax.fori_loop(0, CH, _ew, acc)
        pltpu.sync_copy(q_v, zq_hbm.at[pl.ds(row0, CH)])
    acc_v[...] = acc
    pltpu.sync_copy(acc_v, sq_hbm.at[wid])


@functools.cache
def _sc_gather_finish():
    return pl.kernel(
        _sc_body,
        out_type=[
            jax.ShapeDtypeStruct((CB, D), jnp.float32),
            jax.ShapeDtypeStruct((NW, CB), jnp.float32),
            jax.ShapeDtypeStruct((NW, 16), jnp.float32),
        ],
        mesh=plsc.VectorSubcoreMesh(core_axis_name="c", subcore_axis_name="s"),
        compiler_params=pltpu.CompilerParams(needs_layout_passes=False),
        scratch_types=[
            pltpu.VMEM((BPW,), jnp.int32),
            pltpu.VMEM((CH, D), jnp.float32),
            pltpu.VMEM((CH, D), jnp.float32),
            pltpu.VMEM((CB,), jnp.float32),
            pltpu.VMEM((16,), jnp.float32),
            pltpu.SemaphoreType.DMA,
        ],
    )


def kernel(z, codebook):
    B, N, _ = z.shape
    flat = z.reshape(-1, D)
    zsq = jnp.sum(flat ** 2, axis=1, keepdims=True)
    csq = jnp.sum(codebook ** 2, axis=1)[None, :]

    distances, indices = _distances_pallas(zsq, csq, flat, codebook, B, N)
    zq_flat, partial_counts, partial_sq = _sc_gather_finish()(
        codebook, indices, flat)
    z_q = zq_flat.reshape(z.shape)

    codebook_loss = jnp.sum(partial_sq) / (CB * D)
    commit_loss = COMMIT * codebook_loss
    counts = jnp.sum(partial_counts, axis=0)
    avg_probs = counts / CB
    perplexity = jnp.exp(-jnp.sum(avg_probs * jnp.log(avg_probs + 1e-10)))
    return (z_q,
            indices.reshape(B, N),
            commit_loss,
            codebook_loss,
            perplexity,
            distances)

# --- scband reference (transcript-rebuilt; emitter-appended) ---
"""Pipeline reference for scband-vector-quantizer-82729660056146 (READ-ONLY COPY).

The authoritative reference and input builder live on the scoring server;
editing this copy changes nothing except your own understanding.
"""

import jax, jax.numpy as jnp
import numpy as np

CODEBOOK_SIZE = 8192
EMBED_DIM = 256
COMMITMENT_COST = 0.25


def setup_inputs(seed: int = 0) -> dict:
    key = jax.random.key(seed)
    k1, k2 = jax.random.split(key)
    z = jax.random.normal(k1, (8, 1024, 256), dtype=jnp.float32)
    codebook = jax.random.normal(k2, (CODEBOOK_SIZE, EMBED_DIM), dtype=jnp.float32) / (EMBED_DIM ** 0.5)
    return {"z": z, "codebook": codebook}


def reference(z, codebook):
    if z.ndim != 3:
        raise ValueError('z must have shape [B, N, D]')
    B, N, D = z.shape
    flat = z.reshape(-1, EMBED_DIM)
    distances = (jnp.sum(flat ** 2, axis=1, keepdims=True)
                 - 2.0 * flat @ codebook.T
                 + jnp.sum(codebook ** 2, axis=1)[None, :])
    indices = jnp.argmin(distances, axis=1)
    encodings = jax.nn.one_hot(indices, CODEBOOK_SIZE, dtype=flat.dtype)
    quantized = encodings @ codebook
    quantized = quantized.reshape(z.shape)
    codebook_loss = jnp.mean((quantized - jax.lax.stop_gradient(z)) ** 2)
    commit_loss = COMMITMENT_COST * jnp.mean((z - jax.lax.stop_gradient(quantized)) ** 2)
    z_q = z + jax.lax.stop_gradient(quantized - z)
    avg_probs = jnp.mean(encodings, axis=0)
    perplexity = jnp.exp(-jnp.sum(avg_probs * jnp.log(avg_probs + 1e-10)))
    return (z_q,
            indices.reshape(B, N),
            commit_loss,
            codebook_loss,
            perplexity,
            distances.reshape(B, N, CODEBOOK_SIZE))

if __name__ == "__main__":
    import jax
    _d = setup_inputs()
    print(jax.jit(kernel)(*tuple(_d.values())))

</pallas_src>

<mosaic_0001>
#map = affine_map<(d0, d1) -> (0, 0)>
#map1 = affine_map<(d0, d1) -> (0)>
module attributes {stable_mosaic.version = 14 : i64} {
  func.func @_sc_body(%arg0: i32, %arg1: i32, %arg2: memref<8192x256xf32, #tpu.memory_space<hbm>>, %arg3: memref<8192xi32, #tpu.memory_space<hbm>>, %arg4: memref<8192x256xf32, #tpu.memory_space<hbm>>, %arg5: memref<8192x256xf32, #tpu.memory_space<hbm>>, %arg6: memref<32x8192xf32, #tpu.memory_space<hbm>>, %arg7: memref<32x16xf32, #tpu.memory_space<hbm>>, %arg8: memref<256xi32, #tpu.memory_space<vmem>>, %arg9: memref<128x256xf32, #tpu.memory_space<vmem>>, %arg10: memref<128x256xf32, #tpu.memory_space<vmem>>, %arg11: memref<8192xf32, #tpu.memory_space<vmem>>, %arg12: memref<16xf32, #tpu.memory_space<vmem>>, %arg13: memref<!tpu.dma_semaphore, #tpu.memory_space<semaphore_mem>>) attributes {dimension_semantics = [#tpu.dimension_semantics<core_parallel>, #tpu.dimension_semantics<subcore_parallel>], iteration_bounds = array<i64: 2, 16>, scalar_prefetch = 0 : i64, scratch_operands = 6 : i64, tpu.core_type = #tpu.core_type<sc_vector_subcore>, window_params = [{transform_indices = #map}, {transform_indices = #map1}, {transform_indices = #map}, {transform_indices = #map}, {transform_indices = #map}, {transform_indices = #map}]} {
    %mul3A = arith.constant 2 : i32
    %mul3A_0 = arith.muli %arg1, %mul3A : i32
    %add3A = arith.addi %mul3A_0, %arg0 : i32
    %mul3A_1 = arith.constant 256 : i32
    %mul3A_2 = arith.muli %add3A, %mul3A_1 : i32
    "tpu.region"() ({
      %run_scoped3A = tpu.sem_alloc : memref<!tpu.dma_semaphore, #tpu.memory_space<semaphore_mem>>
      %dma_start3A_52 = tpu.memref_slice %arg3[%mul3A_2] : memref<8192xi32, #tpu.memory_space<hbm>> -> memref<256xi32, #tpu.memory_space<hbm>>
      %dma_start3A_53 = tpu.memref_slice %arg3[%mul3A_2] : memref<8192xi32, #tpu.memory_space<hbm>> -> memref<256xi32, #tpu.memory_space<hbm>>
      tpu.enqueue_dma source(%dma_start3A_53 : memref<256xi32, #tpu.memory_space<hbm>>) target(%arg8 : memref<256xi32, #tpu.memory_space<vmem>>) target_semaphore(%run_scoped3A : memref<!tpu.dma_semaphore, #tpu.memory_space<semaphore_mem>>)
      %dma_wait3A_54 = tpu.memref_slice %arg3[%mul3A_2] : memref<8192xi32, #tpu.memory_space<hbm>> -> memref<256xi32, #tpu.memory_space<hbm>>
      %dma_wait3A_55 = tpu.memref_slice %arg3[%mul3A_2] : memref<8192xi32, #tpu.memory_space<hbm>> -> memref<256xi32, #tpu.memory_space<hbm>>
      tpu.wait_dma2 semaphore(%run_scoped3A : memref<!tpu.dma_semaphore, #tpu.memory_space<semaphore_mem>>) src(%dma_wait3A_55 : memref<256xi32, #tpu.memory_space<hbm>>) dst(%arg8 : memref<256xi32, #tpu.memory_space<vmem>>)
      tpu.yield
    }) : () -> ()
    %scan3A = arith.constant 0 : i32
    %scan3A_3 = arith.constant 0 : i32
    %scan3A_4 = arith.constant 512 : i32
    %scan3A_5 = arith.addi %scan3A_3, %scan3A_4 : i32
    %scan3A_6 = arith.constant 1 : i32
    scf.for %scan3A_52 = %scan3A_3 to %scan3A_5 step %scan3A_6  : i32 {
      %broadcast_in_dim3A_53 = arith.constant 0.000000e+00 : f32
      %broadcast_in_dim3A_54 = vector.broadcast %broadcast_in_dim3A_53 : f32 to vector<16xf32>
      %mul3A_55 = arith.constant 16 : i32
      %mul3A_56 = arith.muli %scan3A_52, %mul3A_55 : i32
      %swap3A_57 = arith.index_cast %mul3A_56 : i32 to index
      %swap3A_58 = tpu.vector_load %arg11[%swap3A_57] {strides = array<i32>} : memref<8192xf32, #tpu.memory_space<vmem>>, vector<16xf32>,
      tpu.vector_store %arg11[%swap3A_57], %broadcast_in_dim3A_54 {strides = array<i32>} : memref<8192xf32, #tpu.memory_space<vmem>>, vector<16xf32>,
    }
    %scan3A_7 = arith.constant 512 : i32
    %broadcast_in_dim3A = arith.constant 1.000000e+00 : f32
    %broadcast_in_dim3A_8 = vector.broadcast %broadcast_in_dim3A : f32 to vector<16xf32>
    %scan3A_9 = arith.constant 0 : i32
    %scan3A_10 = arith.constant 0 : i32
    %scan3A_11 = arith.constant 16 : i32
    %scan3A_12 = arith.addi %scan3A_10, %scan3A_11 : i32
    %scan3A_13 = arith.constant 1 : i32
    scf.for %scan3A_52 = %scan3A_10 to %scan3A_12 step %scan3A_13  : i32 {
      %mul3A_53 = arith.constant 16 : i32
      %mul3A_54 = arith.muli %scan3A_52, %mul3A_53 : i32
      %get3A = arith.index_cast %mul3A_54 : i32 to index
      %get3A_55 = tpu.vector_load %arg8[%get3A] {strides = array<i32>} : memref<256xi32, #tpu.memory_space<vmem>>, vector<16xi32>,
      tpu.vector_store_idx %arg11[%get3A_55], %broadcast_in_dim3A_8 {add = true} : memref<8192xf32, #tpu.memory_space<vmem>>[vector<16xi32>], vector<16xf32>,
    }
    %scan3A_14 = arith.constant 16 : i32
    "tpu.region"() ({
      %run_scoped3A = tpu.sem_alloc : memref<!tpu.dma_semaphore, #tpu.memory_space<semaphore_mem>>
      %dma_start3A_52 = arith.constant 0 : i32
      %dma_start3A_53 = tpu.memref_slice %arg6[%add3A, %dma_start3A_52] : memref<32x8192xf32, #tpu.memory_space<hbm>> -> memref<1x8192xf32, #tpu.memory_space<hbm>>
      %dma_start3A_54 = tpu.memref_squeeze %dma_start3A_53 : memref<1x8192xf32, #tpu.memory_space<hbm>> -> memref<8192xf32, #tpu.memory_space<hbm>>
      %dma_start3A_55 = arith.constant 0 : i32
      %dma_start3A_56 = tpu.memref_slice %arg6[%add3A, %dma_start3A_55] : memref<32x8192xf32, #tpu.memory_space<hbm>> -> memref<1x8192xf32, #tpu.memory_space<hbm>>
      %dma_start3A_57 = tpu.memref_squeeze %dma_start3A_56 : memref<1x8192xf32, #tpu.memory_space<hbm>> -> memref<8192xf32, #tpu.memory_space<hbm>>
      tpu.enqueue_dma source(%arg11 : memref<8192xf32, #tpu.memory_space<vmem>>) target(%dma_start3A_57 : memref<8192xf32, #tpu.memory_space<hbm>>) target_semaphore(%run_scoped3A : memref<!tpu.dma_semaphore, #tpu.memory_space<semaphore_mem>>)
      %dma_wait3A_58 = arith.constant 0 : i32
      %dma_wait3A_59 = tpu.memref_slice %arg6[%add3A, %dma_wait3A_58] : memref<32x8192xf32, #tpu.memory_space<hbm>> -> memref<1x8192xf32, #tpu.memory_space<hbm>>
      %dma_wait3A_60 = tpu.memref_squeeze %dma_wait3A_59 : memref<1x8192xf32, #tpu.memory_space<hbm>> -> memref<8192xf32, #tpu.memory_space<hbm>>
      %dma_wait3A_61 = arith.constant 0 : i32
      %dma_wait3A_62 = tpu.memref_slice %arg6[%add3A, %dma_wait3A_61] : memref<32x8192xf32, #tpu.memory_space<hbm>> -> memref<1x8192xf32, #tpu.memory_space<hbm>>
      %dma_wait3A_63 = tpu.memref_squeeze %dma_wait3A_62 : memref<1x8192xf32, #tpu.memory_space<hbm>> -> memref<8192xf32, #tpu.memory_space<hbm>>
      tpu.wait_dma2 semaphore(%run_scoped3A : memref<!tpu.dma_semaphore, #tpu.memory_space<semaphore_mem>>) src(%arg11 : memref<8192xf32, #tpu.memory_space<vmem>>) dst(%dma_wait3A_63 : memref<8192xf32, #tpu.memory_space<hbm>>)
      tpu.yield
    }) : () -> ()
    %broadcast_in_dim3A_15 = arith.constant 0.000000e+00 : f32
    %broadcast_in_dim3A_16 = vector.broadcast %broadcast_in_dim3A_15 : f32 to vector<16xf32>
    %add3A_17 = arith.constant 0 : i32
    %add3A_18 = arith.addi %mul3A_2, %add3A_17 : i32
    %dma_start3A = arith.constant 0 : i32
    %dma_start3A_19 = tpu.memref_slice %arg8[%dma_start3A] : memref<256xi32, #tpu.memory_space<vmem>> -> memref<128xi32, #tpu.memory_space<vmem>>
    %dma_start3A_20 = arith.constant 0 : i32
    %dma_start3A_21 = arith.constant 0 : i32
    %dma_start3A_22 = tpu.memref_slice %arg2[%dma_start3A_20, %dma_start3A_21] : memref<8192x256xf32, #tpu.memory_space<hbm>> -> memref<8192x256xf32, #tpu.memory_space<hbm>>
    tpu.enqueue_indirect_dma source(%dma_start3A_22 : memref<8192x256xf32, #tpu.memory_space<hbm>>) target(%arg9 : memref<128x256xf32, #tpu.memory_space<vmem>>) offsets(%dma_start3A_19 : memref<128xi32, #tpu.memory_space<vmem>>) semaphore(%arg13 : memref<!tpu.dma_semaphore, #tpu.memory_space<semaphore_mem>>)
    %dma_wait3A = arith.constant 0 : i32
    %dma_wait3A_23 = tpu.memref_slice %arg8[%dma_wait3A] : memref<256xi32, #tpu.memory_space<vmem>> -> memref<128xi32, #tpu.memory_space<vmem>>
    %dma_wait3A_24 = arith.constant 0 : i32
    %dma_wait3A_25 = arith.constant 0 : i32
    %dma_wait3A_26 = tpu.memref_slice %arg2[%dma_wait3A_24, %dma_wait3A_25] : memref<8192x256xf32, #tpu.memory_space<hbm>> -> memref<8192x256xf32, #tpu.memory_space<hbm>>
    tpu.wait_indirect_dma semaphore(%arg13 : memref<!tpu.dma_semaphore, #tpu.memory_space<semaphore_mem>>) src(%dma_wait3A_26 : memref<8192x256xf32, #tpu.memory_space<hbm>>) dst(%arg9 : memref<128x256xf32, #tpu.memory_space<vmem>>)
    "tpu.region"() ({
      %run_scoped3A = tpu.sem_alloc : memref<!tpu.dma_semaphore, #tpu.memory_space<semaphore_mem>>
      %dma_start3A_52 = arith.constant 0 : i32
      %dma_start3A_53 = tpu.memref_slice %arg4[%add3A_18, %dma_start3A_52] : memref<8192x256xf32, #tpu.memory_space<hbm>> -> memref<128x256xf32, #tpu.memory_space<hbm>>
      %dma_start3A_54 = arith.constant 0 : i32
      %dma_start3A_55 = tpu.memref_slice %arg4[%add3A_18, %dma_start3A_54] : memref<8192x256xf32, #tpu.memory_space<hbm>> -> memref<128x256xf32, #tpu.memory_space<hbm>>
      tpu.enqueue_dma source(%dma_start3A_55 : memref<128x256xf32, #tpu.memory_space<hbm>>) target(%arg10 : memref<128x256xf32, #tpu.memory_space<vmem>>) target_semaphore(%run_scoped3A : memref<!tpu.dma_semaphore, #tpu.memory_space<semaphore_mem>>)
      %dma_wait3A_56 = arith.constant 0 : i32
      %dma_wait3A_57 = tpu.memref_slice %arg4[%add3A_18, %dma_wait3A_56] : memref<8192x256xf32, #tpu.memory_space<hbm>> -> memref<128x256xf32, #tpu.memory_space<hbm>>
      %dma_wait3A_58 = arith.constant 0 : i32
      %dma_wait3A_59 = tpu.memref_slice %arg4[%add3A_18, %dma_wait3A_58] : memref<8192x256xf32, #tpu.memory_space<hbm>> -> memref<128x256xf32, #tpu.memory_space<hbm>>
      tpu.wait_dma2 semaphore(%run_scoped3A : memref<!tpu.dma_semaphore, #tpu.memory_space<semaphore_mem>>) src(%dma_wait3A_59 : memref<128x256xf32, #tpu.memory_space<hbm>>) dst(%arg10 : memref<128x256xf32, #tpu.memory_space<vmem>>)
      tpu.yield
    }) : () -> ()
    %scan3A_27 = arith.constant 0 : i32
    %scan3A_28 = arith.constant 128 : i32
    %scan3A_29 = arith.addi %scan3A_27, %scan3A_28 : i32
    %scan3A_30 = arith.constant 1 : i32
    %scan3A_31 = scf.for %scan3A_52 = %scan3A_27 to %scan3A_29 step %scan3A_30 iter_args(%scan3A_53 = %broadcast_in_dim3A_16) -> (vector<16xf32>)  : i32 {
      %get3A = arith.index_cast %scan3A_52 : i32 to index
      %get3A_54 = arith.constant 0 : index
      %get3A_55 = tpu.vector_load %arg10[%get3A, %get3A_54] {strides = array<i32>} : memref<128x256xf32, #tpu.memory_space<vmem>>, vector<16xf32>,
      %get3A_56 = arith.index_cast %scan3A_52 : i32 to index
      %get3A_57 = arith.constant 0 : index
      %get3A_58 = tpu.vector_load %arg9[%get3A_56, %get3A_57] {strides = array<i32>} : memref<128x256xf32, #tpu.memory_space<vmem>>, vector<16xf32>,
      %sub3A = arith.subf %get3A_58, %get3A_55 : vector<16xf32>
      %add3A_59 = arith.addf %get3A_55, %sub3A : vector<16xf32>
      %swap3A_60 = arith.index_cast %scan3A_52 : i32 to index
      %swap3A_61 = arith.constant 0 : index
      %swap3A_62 = tpu.vector_load %arg9[%swap3A_60, %swap3A_61] {strides = array<i32>} : memref<128x256xf32, #tpu.memory_space<vmem>>, vector<16xf32>,
      tpu.vector_store %arg9[%swap3A_60, %swap3A_61], %add3A_59 {strides = array<i32>} : memref<128x256xf32, #tpu.memory_space<vmem>>, vector<16xf32>,
      %mul3A_63 = arith.mulf %sub3A, %sub3A : vector<16xf32>
      %add3A_64 = arith.addf %scan3A_53, %mul3A_63 : vector<16xf32>
      %get3A_65 = arith.index_cast %scan3A_52 : i32 to index
      %get3A_66 = arith.constant 16 : index
      %get3A_67 = tpu.vector_load %arg10[%get3A_65, %get3A_66] {strides = array<i32>} : memref<128x256xf32, #tpu.memory_space<vmem>>, vector<16xf32>,
      %get3A_68 = arith.index_cast %scan3A_52 : i32 to index
      %get3A_69 = arith.constant 16 : index
      %get3A_70 = tpu.vector_load %arg9[%get3A_68, %get3A_69] {strides = array<i32>} : memref<128x256xf32, #tpu.memory_space<vmem>>, vector<16xf32>,
      %sub3A_71 = arith.subf %get3A_70, %get3A_67 : vector<16xf32>
      %add3A_72 = arith.addf %get3A_67, %sub3A_71 : vector<16xf32>
      %swap3A_73 = arith.index_cast %scan3A_52 : i32 to index
      %swap3A_74 = arith.constant 16 : index
      %swap3A_75 = tpu.vector_load %arg9[%swap3A_73, %swap3A_74] {strides = array<i32>} : memref<128x256xf32, #tpu.memory_space<vmem>>, vector<16xf32>,
      tpu.vector_store %arg9[%swap3A_73, %swap3A_74], %add3A_72 {strides = array<i32>} : memref<128x256xf32, #tpu.memory_space<vmem>>, vector<16xf32>,
      %mul3A_76 = arith.mulf %sub3A_71, %sub3A_71 : vector<16xf32>
      %add3A_77 = arith.addf %add3A_64, %mul3A_76 : vector<16xf32>
      %get3A_78 = arith.index_cast %scan3A_52 : i32 to index
      %get3A_79 = arith.constant 32 : index
      %get3A_80 = tpu.vector_load %arg10[%get3A_78, %get3A_79] {strides = array<i32>} : memref<128x256xf32, #tpu.memory_space<vmem>>, vector<16xf32>,
      %get3A_81 = arith.index_cast %scan3A_52 : i32 to index
      %get3A_82 = arith.constant 32 : index
      %get3A_83 = tpu.vector_load %arg9[%get3A_81, %get3A_82] {strides = array<i32>} : memref<128x256xf32, #tpu.memory_space<vmem>>, vector<16xf32>,
      %sub3A_84 = arith.subf %get3A_83, %get3A_80 : vector<16xf32>
      %add3A_85 = arith.addf %get3A_80, %sub3A_84 : vector<16xf32>
      %swap3A_86 = arith.index_cast %scan3A_52 : i32 to index
      %swap3A_87 = arith.constant 32 : index
      %swap3A_88 = tpu.vector_load %arg9[%swap3A_86, %swap3A_87] {strides = array<i32>} : memref<128x256xf32, #tpu.memory_space<vmem>>, vector<16xf32>,
      tpu.vector_store %arg9[%swap3A_86, %swap3A_87], %add3A_85 {strides = array<i32>} : memref<128x256xf32, #tpu.memory_space<vmem>>, vector<16xf32>,
      %mul3A_89 = arith.mulf %sub3A_84, %sub3A_84 : vector<16xf32>
      %add3A_90 = arith.addf %add3A_77, %mul3A_89 : vector<16xf32>
      %get3A_91 = arith.index_cast %scan3A_52 : i32 to index
      %get3A_92 = arith.constant 48 : index
      %get3A_93 = tpu.vector_load %arg10[%get3A_91, %get3A_92] {strides = array<i32>} : memref<128x256xf32, #tpu.memory_space<vmem>>, vector<16xf32>,
      %get3A_94 = arith.index_cast %scan3A_52 : i32 to index
      %get3A_95 = arith.constant 48 : index
      %get3A_96 = tpu.vector_load %arg9[%get3A_94, %get3A_95] {strides = array<i32>} : memref<128x256xf32, #tpu.memory_space<vmem>>, vector<16xf32>,
      %sub3A_97 = arith.subf %get3A_96, %get3A_93 : vector<16xf32>
      %add3A_98 = arith.addf %get3A_93, %sub3A_97 : vector<16xf32>
      %swap3A_99 = arith.index_cast %scan3A_52 : i32 to index
      %swap3A_100 = arith.constant 48 : index
      %swap3A_101 = tpu.vector_load %arg9[%swap3A_99, %swap3A_100] {strides = array<i32>} : memref<128x256xf32, #tpu.memory_space<vmem>>, vector<16xf32>,
      tpu.vector_store %arg9[%swap3A_99, %swap3A_100], %add3A_98 {strides = array<i32>} : memref<128x256xf32, #tpu.memory_space<vmem>>, vector<16xf32>,
      %mul3A_102 = arith.mulf %sub3A_97, %sub3A_97 : vector<16xf32>
      %add3A_103 = arith.addf %add3A_90, %mul3A_102 : vector<16xf32>
      %get3A_104 = arith.index_cast %scan3A_52 : i32 to index
      %get3A_105 = arith.constant 64 : index
      %get3A_106 = tpu.vector_load %arg10[%get3A_104, %get3A_105] {strides = array<i32>} : memref<128x256xf32, #tpu.memory_space<vmem>>, vector<16xf32>,
      %get3A_107 = arith.index_cast %scan3A_52 : i32 to index
      %get3A_108 = arith.constant 64 : index
      %get3A_109 = tpu.vector_load %arg9[%get3A_107, %get3A_108] {strides = array<i32>} : memref<128x256xf32, #tpu.memory_space<vmem>>, vector<16xf32>,
      %sub3A_110 = arith.subf %get3A_109, %get3A_106 : vector<16xf32>
      %add3A_111 = arith.addf %get3A_106, %sub3A_110 : vector<16xf32>
      %swap3A_112 = arith.index_cast %scan3A_52 : i32 to index
      %swap3A_113 = arith.constant 64 : index
      %swap3A_114 = tpu.vector_load %arg9[%swap3A_112, %swap3A_113] {strides = array<i32>} : memref<128x256xf32, #tpu.memory_space<vmem>>, vector<16xf32>,
      tpu.vector_store %arg9[%swap3A_112, %swap3A_113], %add3A_111 {strides = array<i32>} : memref<128x256xf32, #tpu.memory_space<vmem>>, vector<16xf32>,
      %mul3A_115 = arith.mulf %sub3A_110, %sub3A_110 : vector<16xf32>
      %add3A_116 = arith.addf %add3A_103, %mul3A_115 : vector<16xf32>
      %get3A_117 = arith.index_cast %scan3A_52 : i32 to index
      %get3A_118 = arith.constant 80 : index
      %get3A_119 = tpu.vector_load %arg10[%get3A_117, %get3A_118] {strides = array<i32>} : memref<128x256xf32, #tpu.memory_space<vmem>>, vector<16xf32>,
      %get3A_120 = arith.index_cast %scan3A_52 : i32 to index
      %get3A_121 = arith.constant 80 : index
      %get3A_122 = tpu.vector_load %arg9[%get3A_120, %get3A_121] {strides = array<i32>} : memref<128x256xf32, #tpu.memory_space<vmem>>, vector<16xf32>,
      %sub3A_123 = arith.subf %get3A_122, %get3A_119 : vector<16xf32>
      %add3A_124 = arith.addf %get3A_119, %sub3A_123 : vector<16xf32>
      %swap3A_125 = arith.index_cast %scan3A_52 : i32 to index
      %swap3A_126 = arith.constant 80 : index
      %swap3A_127 = tpu.vector_load %arg9[%swap3A_125, %swap3A_126] {strides = array<i32>} : memref<128x256xf32, #tpu.memory_space<vmem>>, vector<16xf32>,
      tpu.vector_store %arg9[%swap3A_125, %swap3A_126], %add3A_124 {strides = array<i32>} : memref<128x256xf32, #tpu.memory_space<vmem>>, vector<16xf32>,
      %mul3A_128 = arith.mulf %sub3A_123, %sub3A_123 : vector<16xf32>
      %add3A_129 = arith.addf %add3A_116, %mul3A_128 : vector<16xf32>
      %get3A_130 = arith.index_cast %scan3A_52 : i32 to index
      %get3A_131 = arith.constant 96 : index
      %get3A_132 = tpu.vector_load %arg10[%get3A_130, %get3A_131] {strides = array<i32>} : memref<128x256xf32, #tpu.memory_space<vmem>>, vector<16xf32>,
      %get3A_133 = arith.index_cast %scan3A_52 : i32 to index
      %get3A_134 = arith.constant 96 : index
      %get3A_135 = tpu.vector_load %arg9[%get3A_133, %get3A_134] {strides = array<i32>} : memref<128x256xf32, #tpu.memory_space<vmem>>, vector<16xf32>,
      %sub3A_136 = arith.subf %get3A_135, %get3A_132 : vector<16xf32>
      %add3A_137 = arith.addf %get3A_132, %sub3A_136 : vector<16xf32>
      %swap3A_138 = arith.index_cast %scan3A_52 : i32 to index
      %swap3A_139 = arith.constant 96 : index
      %swap3A_140 = tpu.vector_load %arg9[%swap3A_138, %swap3A_139] {strides = array<i32>} : memref<128x256xf32, #tpu.memory_space<vmem>>, vector<16xf32>,
      tpu.vector_store %arg9[%swap3A_138, %swap3A_139], %add3A_137 {strides = array<i32>} : memref<128x256xf32, #tpu.memory_space<vmem>>, vector<16xf32>,
      %mul3A_141 = arith.mulf %sub3A_136, %sub3A_136 : vector<16xf32>
      %add3A_142 = arith.addf %add3A_129, %mul3A_141 : vector<16xf32>
      %get3A_143 = arith.index_cast %scan3A_52 : i32 to index
      %get3A_144 = arith.constant 112 : index
      %get3A_145 = tpu.vector_load %arg10[%get3A_143, %get3A_144] {strides = array<i32>} : memref<128x256xf32, #tpu.memory_space<vmem>>, vector<16xf32>,
      %get3A_146 = arith.index_cast %scan3A_52 : i32 to index
      %get3A_147 = arith.constant 112 : index
      %get3A_148 = tpu.vector_load %arg9[%get3A_146, %get3A_147] {strides = array<i32>} : memref<128x256xf32, #tpu.memory_space<vmem>>, vector<16xf32>,
      %sub3A_149 = arith.subf %get3A_148, %get3A_145 : vector<16xf32>
      %add3A_150 = arith.addf %get3A_145, %sub3A_149 : vector<16xf32>
      %swap3A_151 = arith.index_cast %scan3A_52 : i32 to index
      %swap3A_152 = arith.constant 112 : index
      %swap3A_153 = tpu.vector_load %arg9[%swap3A_151, %swap3A_152] {strides = array<i32>} : memref<128x256xf32, #tpu.memory_space<vmem>>, vector<16xf32>,
      tpu.vector_store %arg9[%swap3A_151, %swap3A_152], %add3A_150 {strides = array<i32>} : memref<128x256xf32, #tpu.memory_space<vmem>>, vector<16xf32>,
      %mul3A_154 = arith.mulf %sub3A_149, %sub3A_149 : vector<16xf32>
      %add3A_155 = arith.addf %add3A_142, %mul3A_154 : vector<16xf32>
      %get3A_156 = arith.index_cast %scan3A_52 : i32 to index
      %get3A_157 = arith.constant 128 : index
      %get3A_158 = tpu.vector_load %arg10[%get3A_156, %get3A_157] {strides = array<i32>} : memref<128x256xf32, #tpu.memory_space<vmem>>, vector<16xf32>,
      %get3A_159 = arith.index_cast %scan3A_52 : i32 to index
      %get3A_160 = arith.constant 128 : index
      %get3A_161 = tpu.vector_load %arg9[%get3A_159, %get3A_160] {strides = array<i32>} : memref<128x256xf32, #tpu.memory_space<vmem>>, vector<16xf32>,
      %sub3A_162 = arith.subf %get3A_161, %get3A_158 : vector<16xf32>
      %add3A_163 = arith.addf %get3A_158, %sub3A_162 : vector<16xf32>
      %swap3A_164 = arith.index_cast %scan3A_52 : i32 to index
      %swap3A_165 = arith.constant 128 : index
      %swap3A_166 = tpu.vector_load %arg9[%swap3A_164, %swap3A_165] {strides = array<i32>} : memref<128x256xf32, #tpu.memory_space<vmem>>, vector<16xf32>,
      tpu.vector_store %arg9[%swap3A_164, %swap3A_165], %add3A_163 {strides = array<i32>} : memref<128x256xf32, #tpu.memory_space<vmem>>, vector<16xf32>,
      %mul3A_167 = arith.mulf %sub3A_162, %sub3A_162 : vector<16xf32>
      %add3A_168 = arith.addf %add3A_155, %mul3A_167 : vector<16xf32>
      %get3A_169 = arith.index_cast %scan3A_52 : i32 to index
      %get3A_170 = arith.constant 144 : index
      %get3A_171 = tpu.vector_load %arg10[%get3A_169, %get3A_170] {strides = array<i32>} : memref<128x256xf32, #tpu.memory_space<vmem>>, vector<16xf32>,
      %get3A_172 = arith.index_cast %scan3A_52 : i32 to index
      %get3A_173 = arith.constant 144 : index
      %get3A_174 = tpu.vector_load %arg9[%get3A_172, %get3A_173] {strides = array<i32>} : memref<128x256xf32, #tpu.memory_space<vmem>>, vector<16xf32>,
      %sub3A_175 = arith.subf %get3A_174, %get3A_171 : vector<16xf32>
      %add3A_176 = arith.addf %get3A_171, %sub3A_175 : vector<16xf32>
      %swap3A_177 = arith.index_cast %scan3A_52 : i32 to index
      %swap3A_178 = arith.constant 144 : index
      %swap3A_179 = tpu.vector_load %arg9[%swap3A_177, %swap3A_178] {strides = array<i32>} : memref<128x256xf32, #tpu.memory_space<vmem>>, vector<16xf32>,
      tpu.vector_store %arg9[%swap3A_177, %swap3A_178], %add3A_176 {strides = array<i32>} : memref<128x256xf32, #tpu.memory_space<vmem>>, vector<16xf32>,
      %mul3A_180 = arith.mulf %sub3A_175, %sub3A_175 : vector<16xf32>
      %add3A_181 = arith.addf %add3A_168, %mul3A_180 : vector<16xf32>
      %get3A_182 = arith.index_cast %scan3A_52 : i32 to index
      %get3A_183 = arith.constant 160 : index
      %get3A_184 = tpu.vector_load %arg10[%get3A_182, %get3A_183] {strides = array<i32>} : memref<128x256xf32, #tpu.memory_space<vmem>>, vector<16xf32>,
      %get3A_185 = arith.index_cast %scan3A_52 : i32 to index
      %get3A_186 = arith.constant 160 : index
      %get3A_187 = tpu.vector_load %arg9[%get3A_185, %get3A_186] {strides = array<i32>} : memref<128x256xf32, #tpu.memory_space<vmem>>, vector<16xf32>,
      %sub3A_188 = arith.subf %get3A_187, %get3A_184 : vector<16xf32>
      %add3A_189 = arith.addf %get3A_184, %sub3A_188 : vector<16xf32>
      %swap3A_190 = arith.index_cast %scan3A_52 : i32 to index
      %swap3A_191 = arith.constant 160 : index
      %swap3A_192 = tpu.vector_load %arg9[%swap3A_190, %swap3A_191] {strides = array<i32>} : memref<128x256xf32, #tpu.memory_space<vmem>>, vector<16xf32>,
      tpu.vector_store %arg9[%swap3A_190, %swap3A_191], %add3A_189 {strides = array<i32>} : memref<128x256xf32, #tpu.memory_space<vmem>>, vector<16xf32>,
      %mul3A_193 = arith.mulf %sub3A_188, %sub3A_188 : vector<16xf32>
      %add3A_194 = arith.addf %add3A_181, %mul3A_193 : vector<16xf32>
      %get3A_195 = arith.index_cast %scan3A_52 : i32 to index
      %get3A_196 = arith.constant 176 : index
      %get3A_197 = tpu.vector_load %arg10[%get3A_195, %get3A_196] {strides = array<i32>} : memref<128x256xf32, #tpu.memory_space<vmem>>, vector<16xf32>,
      %get3A_198 = arith.index_cast %scan3A_52 : i32 to index
      %get3A_199 = arith.constant 176 : index
      %get3A_200 = tpu.vector_load %arg9[%get3A_198, %get3A_199] {strides = array<i32>} : memref<128x256xf32, #tpu.memory_space<vmem>>, vector<16xf32>,
      %sub3A_201 = arith.subf %get3A_200, %get3A_197 : vector<16xf32>
      %add3A_202 = arith.addf %get3A_197, %sub3A_201 : vector<16xf32>
      %swap3A_203 = arith.index_cast %scan3A_52 : i32 to index
      %swap3A_204 = arith.constant 176 : index
      %swap3A_205 = tpu.vector_load %arg9[%swap3A_203, %swap3A_204] {strides = array<i32>} : memref<128x256xf32, #tpu.memory_space<vmem>>, vector<16xf32>,
      tpu.vector_store %arg9[%swap3A_203, %swap3A_204], %add3A_202 {strides = array<i32>} : memref<128x256xf32, #tpu.memory_space<vmem>>, vector<16xf32>,
      %mul3A_206 = arith.mulf %sub3A_201, %sub3A_201 : vector<16xf32>
      %add3A_207 = arith.addf %add3A_194, %mul3A_206 : vector<16xf32>
      %get3A_208 = arith.index_cast %scan3A_52 : i32 to index
      %get3A_209 = arith.constant 192 : index
      %get3A_210 = tpu.vector_load %arg10[%get3A_208, %get3A_209] {strides = array<i32>} : memref<128x256xf32, #tpu.memory_space<vmem>>, vector<16xf32>,
      %get3A_211 = arith.index_cast %scan3A_52 : i32 to index
      %get3A_212 = arith.constant 192 : index
      %get3A_213 = tpu.vector_load %arg9[%get3A_211, %get3A_212] {strides = array<i32>} : memref<128x256xf32, #tpu.memory_space<vmem>>, vector<16xf32>,
      %sub3A_214 = arith.subf %get3A_213, %get3A_210 : vector<16xf32>
      %add3A_215 = arith.addf %get3A_210, %sub3A_214 : vector<16xf32>
      %swap3A_216 = arith.index_cast %scan3A_52 : i32 to index
      %swap3A_217 = arith.constant 192 : index
      %swap3A_218 = tpu.vector_load %arg9[%swap3A_216, %swap3A_217] {strides = array<i32>} : memref<128x256xf32, #tpu.memory_space<vmem>>, vector<16xf32>,
      tpu.vector_store %arg9[%swap3A_216, %swap3A_217], %add3A_215 {strides = array<i32>} : memref<128x256xf32, #tpu.memory_space<vmem>>, vector<16xf32>,
      %mul3A_219 = arith.mulf %sub3A_214, %sub3A_214 : vector<16xf32>
      %add3A_220 = arith.addf %add3A_207, %mul3A_219 : vector<16xf32>
      %get3A_221 = arith.index_cast %scan3A_52 : i32 to index
      %get3A_222 = arith.constant 208 : index
      %get3A_223 = tpu.vector_load %arg10[%get3A_221, %get3A_222] {strides = array<i32>} : memref<128x256xf32, #tpu.memory_space<vmem>>, vector<16xf32>,
      %get3A_224 = arith.index_cast %scan3A_52 : i32 to index
      %get3A_225 = arith.constant 208 : index
      %get3A_226 = tpu.vector_load %arg9[%get3A_224, %get3A_225] {strides = array<i32>} : memref<128x256xf32, #tpu.memory_space<vmem>>, vector<16xf32>,
      %sub3A_227 = arith.subf %get3A_226, %get3A_223 : vector<16xf32>
      %add3A_228 = arith.addf %get3A_223, %sub3A_227 : vector<16xf32>
      %swap3A_229 = arith.index_cast %scan3A_52 : i32 to index
      %swap3A_230 = arith.constant 208 : index
      %swap3A_231 = tpu.vector_load %arg9[%swap3A_229, %swap3A_230] {strides = array<i32>} : memref<128x256xf32, #tpu.memory_space<vmem>>, vector<16xf32>,
      tpu.vector_store %arg9[%swap3A_229, %swap3A_230], %add3A_228 {strides = array<i32>} : memref<128x256xf32, #tpu.memory_space<vmem>>, vector<16xf32>,
      %mul3A_232 = arith.mulf %sub3A_227, %sub3A_227 : vector<16xf32>
      %add3A_233 = arith.addf %add3A_220, %mul3A_232 : vector<16xf32>
      %get3A_234 = arith.index_cast %scan3A_52 : i32 to index
      %get3A_235 = arith.constant 224 : index
      %get3A_236 = tpu.vector_load %arg10[%get3A_234, %get3A_235] {strides = array<i32>} : memref<128x256xf32, #tpu.memory_space<vmem>>, vector<16xf32>,
      %get3A_237 = arith.index_cast %scan3A_52 : i32 to index
      %get3A_238 = arith.constant 224 : index
      %get3A_239 = tpu.vector_load %arg9[%get3A_237, %get3A_238] {strides = array<i32>} : memref<128x256xf32, #tpu.memory_space<vmem>>, vector<16xf32>,
      %sub3A_240 = arith.subf %get3A_239, %get3A_236 : vector<16xf32>
      %add3A_241 = arith.addf %get3A_236, %sub3A_240 : vector<16xf32>
      %swap3A_242 = arith.index_cast %scan3A_52 : i32 to index
      %swap3A_243 = arith.constant 224 : index
      %swap3A_244 = tpu.vector_load %arg9[%swap3A_242, %swap3A_243] {strides = array<i32>} : memref<128x256xf32, #tpu.memory_space<vmem>>, vector<16xf32>,
      tpu.vector_store %arg9[%swap3A_242, %swap3A_243], %add3A_241 {strides = array<i32>} : memref<128x256xf32, #tpu.memory_space<vmem>>, vector<16xf32>,
      %mul3A_245 = arith.mulf %sub3A_240, %sub3A_240 : vector<16xf32>
      %add3A_246 = arith.addf %add3A_233, %mul3A_245 : vector<16xf32>
      %get3A_247 = arith.index_cast %scan3A_52 : i32 to index
      %get3A_248 = arith.constant 240 : index
      %get3A_249 = tpu.vector_load %arg10[%get3A_247, %get3A_248] {strides = array<i32>} : memref<128x256xf32, #tpu.memory_space<vmem>>, vector<16xf32>,
      %get3A_250 = arith.index_cast %scan3A_52 : i32 to index
      %get3A_251 = arith.constant 240 : index
      %get3A_252 = tpu.vector_load %arg9[%get3A_250, %get3A_251] {strides = array<i32>} : memref<128x256xf32, #tpu.memory_space<vmem>>, vector<16xf32>,
      %sub3A_253 = arith.subf %get3A_252, %get3A_249 : vector<16xf32>
      %add3A_254 = arith.addf %get3A_249, %sub3A_253 : vector<16xf32>
      %swap3A_255 = arith.index_cast %scan3A_52 : i32 to index
      %swap3A_256 = arith.constant 240 : index
      %swap3A_257 = tpu.vector_load %arg9[%swap3A_255, %swap3A_256] {strides = array<i32>} : memref<128x256xf32, #tpu.memory_space<vmem>>, vector<16xf32>,
      tpu.vector_store %arg9[%swap3A_255, %swap3A_256], %add3A_254 {strides = array<i32>} : memref<128x256xf32, #tpu.memory_space<vmem>>, vector<16xf32>,
      %mul3A_258 = arith.mulf %sub3A_253, %sub3A_253 : vector<16xf32>
      %add3A_259 = arith.addf %add3A_246, %mul3A_258 : vector<16xf32>
      scf.yield %add3A_259 : vector<16xf32>
    }
    %scan3A_32 = arith.constant 128 : i32
    "tpu.region"() ({
      %run_scoped3A = tpu.sem_alloc : memref<!tpu.dma_semaphore, #tpu.memory_space<semaphore_mem>>
      %dma_start3A_52 = arith.constant 0 : i32
      %dma_start3A_53 = tpu.memref_slice %arg5[%add3A_18, %dma_start3A_52] : memref<8192x256xf32, #tpu.memory_space<hbm>> -> memref<128x256xf32, #tpu.memory_space<hbm>>
      %dma_start3A_54 = arith.constant 0 : i32
      %dma_start3A_55 = tpu.memref_slice %arg5[%add3A_18, %dma_start3A_54] : memref<8192x256xf32, #tpu.memory_space<hbm>> -> memref<128x256xf32, #tpu.memory_space<hbm>>
      tpu.enqueue_dma source(%arg9 : memref<128x256xf32, #tpu.memory_space<vmem>>) target(%dma_start3A_55 : memref<128x256xf32, #tpu.memory_space<hbm>>) target_semaphore(%run_scoped3A : memref<!tpu.dma_semaphore, #tpu.memory_space<semaphore_mem>>)
      %dma_wait3A_56 = arith.constant 0 : i32
      %dma_wait3A_57 = tpu.memref_slice %arg5[%add3A_18, %dma_wait3A_56] : memref<8192x256xf32, #tpu.memory_space<hbm>> -> memref<128x256xf32, #tpu.memory_space<hbm>>
      %dma_wait3A_58 = arith.constant 0 : i32
      %dma_wait3A_59 = tpu.memref_slice %arg5[%add3A_18, %dma_wait3A_58] : memref<8192x256xf32, #tpu.memory_space<hbm>> -> memref<128x256xf32, #tpu.memory_space<hbm>>
      tpu.wait_dma2 semaphore(%run_scoped3A : memref<!tpu.dma_semaphore, #tpu.memory_space<semaphore_mem>>) src(%arg9 : memref<128x256xf32, #tpu.memory_space<vmem>>) dst(%dma_wait3A_59 : memref<128x256xf32, #tpu.memory_space<hbm>>)
      tpu.yield
    }) : () -> ()
    %add3A_33 = arith.constant 128 : i32
    %add3A_34 = arith.addi %mul3A_2, %add3A_33 : i32
    %dma_start3A_35 = arith.constant 128 : i32
    %dma_start3A_36 = tpu.memref_slice %arg8[%dma_start3A_35] : memref<256xi32, #tpu.memory_space<vmem>> -> memref<128xi32, #tpu.memory_space<vmem>>
    %dma_start3A_37 = arith.constant 0 : i32
    %dma_start3A_38 = arith.constant 0 : i32
    %dma_start3A_39 = tpu.memref_slice %arg2[%dma_start3A_37, %dma_start3A_38] : memref<8192x256xf32, #tpu.memory_space<hbm>> -> memref<8192x256xf32, #tpu.memory_space<hbm>>
    tpu.enqueue_indirect_dma source(%dma_start3A_39 : memref<8192x256xf32, #tpu.memory_space<hbm>>) target(%arg9 : memref<128x256xf32, #tpu.memory_space<vmem>>) offsets(%dma_start3A_36 : memref<128xi32, #tpu.memory_space<vmem>>) semaphore(%arg13 : memref<!tpu.dma_semaphore, #tpu.memory_space<semaphore_mem>>)
    %dma_wait3A_40 = arith.constant 128 : i32
    %dma_wait3A_41 = tpu.memref_slice %arg8[%dma_wait3A_40] : memref<256xi32, #tpu.memory_space<vmem>> -> memref<128xi32, #tpu.memory_space<vmem>>
    %dma_wait3A_42 = arith.constant 0 : i32
    %dma_wait3A_43 = arith.constant 0 : i32
    %dma_wait3A_44 = tpu.memref_slice %arg2[%dma_wait3A_42, %dma_wait3A_43] : memref<8192x256xf32, #tpu.memory_space<hbm>> -> memref<8192x256xf32, #tpu.memory_space<hbm>>
    tpu.wait_indirect_dma semaphore(%arg13 : memref<!tpu.dma_semaphore, #tpu.memory_space<semaphore_mem>>) src(%dma_wait3A_44 : memref<8192x256xf32, #tpu.memory_space<hbm>>) dst(%arg9 : memref<128x256xf32, #tpu.memory_space<vmem>>)
    "tpu.region"() ({
      %run_scoped3A = tpu.sem_alloc : memref<!tpu.dma_semaphore, #tpu.memory_space<semaphore_mem>>
      %dma_start3A_52 = arith.constant 0 : i32
      %dma_start3A_53 = tpu.memref_slice %arg4[%add3A_34, %dma_start3A_52] : memref<8192x256xf32, #tpu.memory_space<hbm>> -> memref<128x256xf32, #tpu.memory_space<hbm>>
      %dma_start3A_54 = arith.constant 0 : i32
      %dma_start3A_55 = tpu.memref_slice %arg4[%add3A_34, %dma_start3A_54] : memref<8192x256xf32, #tpu.memory_space<hbm>> -> memref<128x256xf32, #tpu.memory_space<hbm>>
      tpu.enqueue_dma source(%dma_start3A_55 : memref<128x256xf32, #tpu.memory_space<hbm>>) target(%arg10 : memref<128x256xf32, #tpu.memory_space<vmem>>) target_semaphore(%run_scoped3A : memref<!tpu.dma_semaphore, #tpu.memory_space<semaphore_mem>>)
      %dma_wait3A_56 = arith.constant 0 : i32
      %dma_wait3A_57 = tpu.memref_slice %arg4[%add3A_34, %dma_wait3A_56] : memref<8192x256xf32, #tpu.memory_space<hbm>> -> memref<128x256xf32, #tpu.memory_space<hbm>>
      %dma_wait3A_58 = arith.constant 0 : i32
      %dma_wait3A_59 = tpu.memref_slice %arg4[%add3A_34, %dma_wait3A_58] : memref<8192x256xf32, #tpu.memory_space<hbm>> -> memref<128x256xf32, #tpu.memory_space<hbm>>
      tpu.wait_dma2 semaphore(%run_scoped3A : memref<!tpu.dma_semaphore, #tpu.memory_space<semaphore_mem>>) src(%dma_wait3A_59 : memref<128x256xf32, #tpu.memory_space<hbm>>) dst(%arg10 : memref<128x256xf32, #tpu.memory_space<vmem>>)
      tpu.yield
    }) : () -> ()
    %scan3A_45 = arith.constant 0 : i32
    %scan3A_46 = arith.constant 128 : i32
    %scan3A_47 = arith.addi %scan3A_45, %scan3A_46 : i32
    %scan3A_48 = arith.constant 1 : i32
    %scan3A_49 = scf.for %scan3A_52 = %scan3A_45 to %scan3A_47 step %scan3A_48 iter_args(%scan3A_53 = %scan3A_31) -> (vector<16xf32>)  : i32 {
      %get3A = arith.index_cast %scan3A_52 : i32 to index
      %get3A_54 = arith.constant 0 : index
      %get3A_55 = tpu.vector_load %arg10[%get3A, %get3A_54] {strides = array<i32>} : memref<128x256xf32, #tpu.memory_space<vmem>>, vector<16xf32>,
      %get3A_56 = arith.index_cast %scan3A_52 : i32 to index
      %get3A_57 = arith.constant 0 : index
      %get3A_58 = tpu.vector_load %arg9[%get3A_56, %get3A_57] {strides = array<i32>} : memref<128x256xf32, #tpu.memory_space<vmem>>, vector<16xf32>,
      %sub3A = arith.subf %get3A_58, %get3A_55 : vector<16xf32>
      %add3A_59 = arith.addf %get3A_55, %sub3A : vector<16xf32>
      %swap3A_60 = arith.index_cast %scan3A_52 : i32 to index
      %swap3A_61 = arith.constant 0 : index
      %swap3A_62 = tpu.vector_load %arg9[%swap3A_60, %swap3A_61] {strides = array<i32>} : memref<128x256xf32, #tpu.memory_space<vmem>>, vector<16xf32>,
      tpu.vector_store %arg9[%swap3A_60, %swap3A_61], %add3A_59 {strides = array<i32>} : memref<128x256xf32, #tpu.memory_space<vmem>>, vector<16xf32>,
      %mul3A_63 = arith.mulf %sub3A, %sub3A : vector<16xf32>
      %add3A_64 = arith.addf %scan3A_53, %mul3A_63 : vector<16xf32>
      %get3A_65 = arith.index_cast %scan3A_52 : i32 to index
      %get3A_66 = arith.constant 16 : index
      %get3A_67 = tpu.vector_load %arg10[%get3A_65, %get3A_66] {strides = array<i32>} : memref<128x256xf32, #tpu.memory_space<vmem>>, vector<16xf32>,
      %get3A_68 = arith.index_cast %scan3A_52 : i32 to index
      %get3A_69 = arith.constant 16 : index
      %get3A_70 = tpu.vector_load %arg9[%get3A_68, %get3A_69] {strides = array<i32>} : memref<128x256xf32, #tpu.memory_space<vmem>>, vector<16xf32>,
      %sub3A_71 = arith.subf %get3A_70, %get3A_67 : vector<16xf32>
      %add3A_72 = arith.addf %get3A_67, %sub3A_71 : vector<16xf32>
      %swap3A_73 = arith.index_cast %scan3A_52 : i32 to index
      %swap3A_74 = arith.constant 16 : index
      %swap3A_75 = tpu.vector_load %arg9[%swap3A_73, %swap3A_74] {strides = array<i32>} : memref<128x256xf32, #tpu.memory_space<vmem>>, vector<16xf32>,
      tpu.vector_store %arg9[%swap3A_73, %swap3A_74], %add3A_72 {strides = array<i32>} : memref<128x256xf32, #tpu.memory_space<vmem>>, vector<16xf32>,
      %mul3A_76 = arith.mulf %sub3A_71, %sub3A_71 : vector<16xf32>
      %add3A_77 = arith.addf %add3A_64, %mul3A_76 : vector<16xf32>
      %get3A_78 = arith.index_cast %scan3A_52 : i32 to index
      %get3A_79 = arith.constant 32 : index
      %get3A_80 = tpu.vector_load %arg10[%get3A_78, %get3A_79] {strides = array<i32>} : memref<128x256xf32, #tpu.memory_space<vmem>>, vector<16xf32>,
      %get3A_81 = arith.index_cast %scan3A_52 : i32 to index
      %get3A_82 = arith.constant 32 : index
      %get3A_83 = tpu.vector_load %arg9[%get3A_81, %get3A_82] {strides = array<i32>} : memref<128x256xf32, #tpu.memory_space<vmem>>, vector<16xf32>,
      %sub3A_84 = arith.subf %get3A_83, %get3A_80 : vector<16xf32>
      %add3A_85 = arith.addf %get3A_80, %sub3A_84 : vector<16xf32>
      %swap3A_86 = arith.index_cast %scan3A_52 : i32 to index
      %swap3A_87 = arith.constant 32 : index
      %swap3A_88 = tpu.vector_load %arg9[%swap3A_86, %swap3A_87] {strides = array<i32>} : memref<128x256xf32, #tpu.memory_space<vmem>>, vector<16xf32>,
      tpu.vector_store %arg9[%swap3A_86, %swap3A_87], %add3A_85 {strides = array<i32>} : memref<128x256xf32, #tpu.memory_space<vmem>>, vector<16xf32>,
      %mul3A_89 = arith.mulf %sub3A_84, %sub3A_84 : vector<16xf32>
      %add3A_90 = arith.addf %add3A_77, %mul3A_89 : vector<16xf32>
      %get3A_91 = arith.index_cast %scan3A_52 : i32 to index
      %get3A_92 = arith.constant 48 : index
      %get3A_93 = tpu.vector_load %arg10[%get3A_91, %get3A_92] {strides = array<i32>} : memref<128x256xf32, #tpu.memory_space<vmem>>, vector<16xf32>,
      %get3A_94 = arith.index_cast %scan3A_52 : i32 to index
      %get3A_95 = arith.constant 48 : index
      %get3A_96 = tpu.vector_load %arg9[%get3A_94, %get3A_95] {strides = array<i32>} : memref<128x256xf32, #tpu.memory_space<vmem>>, vector<16xf32>,
      %sub3A_97 = arith.subf %get3A_96, %get3A_93 : vector<16xf32>
      %add3A_98 = arith.addf %get3A_93, %sub3A_97 : vector<16xf32>
      %swap3A_99 = arith.index_cast %scan3A_52 : i32 to index
      %swap3A_100 = arith.constant 48 : index
      %swap3A_101 = tpu.vector_load %arg9[%swap3A_99, %swap3A_100] {strides = array<i32>} : memref<128x256xf32, #tpu.memory_space<vmem>>, vector<16xf32>,
      tpu.vector_store %arg9[%swap3A_99, %swap3A_100], %add3A_98 {strides = array<i32>} : memref<128x256xf32, #tpu.memory_space<vmem>>, vector<16xf32>,
      %mul3A_102 = arith.mulf %sub3A_97, %sub3A_97 : vector<16xf32>
      %add3A_103 = arith.addf %add3A_90, %mul3A_102 : vector<16xf32>
      %get3A_104 = arith.index_cast %scan3A_52 : i32 to index
      %get3A_105 = arith.constant 64 : index
      %get3A_106 = tpu.vector_load %arg10[%get3A_104, %get3A_105] {strides = array<i32>} : memref<128x256xf32, #tpu.memory_space<vmem>>, vector<16xf32>,
      %get3A_107 = arith.index_cast %scan3A_52 : i32 to index
      %get3A_108 = arith.constant 64 : index
      %get3A_109 = tpu.vector_load %arg9[%get3A_107, %get3A_108] {strides = array<i32>} : memref<128x256xf32, #tpu.memory_space<vmem>>, vector<16xf32>,
      %sub3A_110 = arith.subf %get3A_109, %get3A_106 : vector<16xf32>
      %add3A_111 = arith.addf %get3A_106, %sub3A_110 : vector<16xf32>
      %swap3A_112 = arith.index_cast %scan3A_52 : i32 to index
      %swap3A_113 = arith.constant 64 : index
      %swap3A_114 = tpu.vector_load %arg9[%swap3A_112, %swap3A_113] {strides = array<i32>} : memref<128x256xf32, #tpu.memory_space<vmem>>, vector<16xf32>,
      tpu.vector_store %arg9[%swap3A_112, %swap3A_113], %add3A_111 {strides = array<i32>} : memref<128x256xf32, #tpu.memory_space<vmem>>, vector<16xf32>,
      %mul3A_115 = arith.mulf %sub3A_110, %sub3A_110 : vector<16xf32>
      %add3A_116 = arith.addf %add3A_103, %mul3A_115 : vector<16xf32>
      %get3A_117 = arith.index_cast %scan3A_52 : i32 to index
      %get3A_118 = arith.constant 80 : index
      %get3A_119 = tpu.vector_load %arg10[%get3A_117, %get3A_118] {strides = array<i32>} : memref<128x256xf32, #tpu.memory_space<vmem>>, vector<16xf32>,
      %get3A_120 = arith.index_cast %scan3A_52 : i32 to index
      %get3A_121 = arith.constant 80 : index
      %get3A_122 = tpu.vector_load %arg9[%get3A_120, %get3A_121] {strides = array<i32>} : memref<128x256xf32, #tpu.memory_space<vmem>>, vector<16xf32>,
      %sub3A_123 = arith.subf %get3A_122, %get3A_119 : vector<16xf32>
      %add3A_124 = arith.addf %get3A_119, %sub3A_123 : vector<16xf32>
      %swap3A_125 = arith.index_cast %scan3A_52 : i32 to index
      %swap3A_126 = arith.constant 80 : index
      %swap3A_127 = tpu.vector_load %arg9[%swap3A_125, %swap3A_126] {strides = array<i32>} : memref<128x256xf32, #tpu.memory_space<vmem>>, vector<16xf32>,
      tpu.vector_store %arg9[%swap3A_125, %swap3A_126], %add3A_124 {strides = array<i32>} : memref<128x256xf32, #tpu.memory_space<vmem>>, vector<16xf32>,
      %mul3A_128 = arith.mulf %sub3A_123, %sub3A_123 : vector<16xf32>
      %add3A_129 = arith.addf %add3A_116, %mul3A_128 : vector<16xf32>
      %get3A_130 = arith.index_cast %scan3A_52 : i32 to index
      %get3A_131 = arith.constant 96 : index
      %get3A_132 = tpu.vector_load %arg10[%get3A_130, %get3A_131] {strides = array<i32>} : memref<128x256xf32, #tpu.memory_space<vmem>>, vector<16xf32>,
      %get3A_133 = arith.index_cast %scan3A_52 : i32 to index
      %get3A_134 = arith.constant 96 : index
      %get3A_135 = tpu.vector_load %arg9[%get3A_133, %get3A_134] {strides = array<i32>} : memref<128x256xf32, #tpu.memory_space<vmem>>, vector<16xf32>,
      %sub3A_136 = arith.subf %get3A_135, %get3A_132 : vector<16xf32>
      %add3A_137 = arith.addf %get3A_132, %sub3A_136 : vector<16xf32>
      %swap3A_138 = arith.index_cast %scan3A_52 : i32 to index
      %swap3A_139 = arith.constant 96 : index
      %swap3A_140 = tpu.vector_load %arg9[%swap3A_138, %swap3A_139] {strides = array<i32>} : memref<128x256xf32, #tpu.memory_space<vmem>>, vector<16xf32>,
      tpu.vector_store %arg9[%swap3A_138, %swap3A_139], %add3A_137 {strides = array<i32>} : memref<128x256xf32, #tpu.memory_space<vmem>>, vector<16xf32>,
      %mul3A_141 = arith.mulf %sub3A_136, %sub3A_136 : vector<16xf32>
      %add3A_142 = arith.addf %add3A_129, %mul3A_141 : vector<16xf32>
      %get3A_143 = arith.index_cast %scan3A_52 : i32 to index
      %get3A_144 = arith.constant 112 : index
      %get3A_145 = tpu.vector_load %arg10[%get3A_143, %get3A_144] {strides = array<i32>} : memref<128x256xf32, #tpu.memory_space<vmem>>, vector<16xf32>,
      %get3A_146 = arith.index_cast %scan3A_52 : i32 to index
      %get3A_147 = arith.constant 112 : index
      %get3A_148 = tpu.vector_load %arg9[%get3A_146, %get3A_147] {strides = array<i32>} : memref<128x256xf32, #tpu.memory_space<vmem>>, vector<16xf32>,
      %sub3A_149 = arith.subf %get3A_148, %get3A_145 : vector<16xf32>
      %add3A_150 = arith.addf %get3A_145, %sub3A_149 : vector<16xf32>
      %swap3A_151 = arith.index_cast %scan3A_52 : i32 to index
      %swap3A_152 = arith.constant 112 : index
      %swap3A_153 = tpu.vector_load %arg9[%swap3A_151, %swap3A_152] {strides = array<i32>} : memref<128x256xf32, #tpu.memory_space<vmem>>, vector<16xf32>,
      tpu.vector_store %arg9[%swap3A_151, %swap3A_152], %add3A_150 {strides = array<i32>} : memref<128x256xf32, #tpu.memory_space<vmem>>, vector<16xf32>,
      %mul3A_154 = arith.mulf %sub3A_149, %sub3A_149 : vector<16xf32>
      %add3A_155 = arith.addf %add3A_142, %mul3A_154 : vector<16xf32>
      %get3A_156 = arith.index_cast %scan3A_52 : i32 to index
      %get3A_157 = arith.constant 128 : index
      %get3A_158 = tpu.vector_load %arg10[%get3A_156, %get3A_157] {strides = array<i32>} : memref<128x256xf32, #tpu.memory_space<vmem>>, vector<16xf32>,
      %get3A_159 = arith.index_cast %scan3A_52 : i32 to index
      %get3A_160 = arith.constant 128 : index
      %get3A_161 = tpu.vector_load %arg9[%get3A_159, %get3A_160] {strides = array<i32>} : memref<128x256xf32, #tpu.memory_space<vmem>>, vector<16xf32>,
      %sub3A_162 = arith.subf %get3A_161, %get3A_158 : vector<16xf32>
      %add3A_163 = arith.addf %get3A_158, %sub3A_162 : vector<16xf32>
      %swap3A_164 = arith.index_cast %scan3A_52 : i32 to index
      %swap3A_165 = arith.constant 128 : index
      %swap3A_166 = tpu.vector_load %arg9[%swap3A_164, %swap3A_165] {strides = array<i32>} : memref<128x256xf32, #tpu.memory_space<vmem>>, vector<16xf32>,
      tpu.vector_store %arg9[%swap3A_164, %swap3A_165], %add3A_163 {strides = array<i32>} : memref<128x256xf32, #tpu.memory_space<vmem>>, vector<16xf32>,
      %mul3A_167 = arith.mulf %sub3A_162, %sub3A_162 : vector<16xf32>
      %add3A_168 = arith.addf %add3A_155, %mul3A_167 : vector<16xf32>
      %get3A_169 = arith.index_cast %scan3A_52 : i32 to index
      %get3A_170 = arith.constant 144 : index
      %get3A_171 = tpu.vector_load %arg10[%get3A_169, %get3A_170] {strides = array<i32>} : memref<128x256xf32, #tpu.memory_space<vmem>>, vector<16xf32>,
      %get3A_172 = arith.index_cast %scan3A_52 : i32 to index
      %get3A_173 = arith.constant 144 : index
      %get3A_174 = tpu.vector_load %arg9[%get3A_172, %get3A_173] {strides = array<i32>} : memref<128x256xf32, #tpu.memory_space<vmem>>, vector<16xf32>,
      %sub3A_175 = arith.subf %get3A_174, %get3A_171 : vector<16xf32>
      %add3A_176 = arith.addf %get3A_171, %sub3A_175 : vector<16xf32>
      %swap3A_177 = arith.index_cast %scan3A_52 : i32 to index
      %swap3A_178 = arith.constant 144 : index
      %swap3A_179 = tpu.vector_load %arg9[%swap3A_177, %swap3A_178] {strides = array<i32>} : memref<128x256xf32, #tpu.memory_space<vmem>>, vector<16xf32>,
      tpu.vector_store %arg9[%swap3A_177, %swap3A_178], %add3A_176 {strides = array<i32>} : memref<128x256xf32, #tpu.memory_space<vmem>>, vector<16xf32>,
      %mul3A_180 = arith.mulf %sub3A_175, %sub3A_175 : vector<16xf32>
      %add3A_181 = arith.addf %add3A_168, %mul3A_180 : vector<16xf32>
      %get3A_182 = arith.index_cast %scan3A_52 : i32 to index
      %get3A_183 = arith.constant 160 : index
      %get3A_184 = tpu.vector_load %arg10[%get3A_182, %get3A_183] {strides = array<i32>} : memref<128x256xf32, #tpu.memory_space<vmem>>, vector<16xf32>,
      %get3A_185 = arith.index_cast %scan3A_52 : i32 to index
      %get3A_186 = arith.constant 160 : index
      %get3A_187 = tpu.vector_load %arg9[%get3A_185, %get3A_186] {strides = array<i32>} : memref<128x256xf32, #tpu.memory_space<vmem>>, vector<16xf32>,
      %sub3A_188 = arith.subf %get3A_187, %get3A_184 : vector<16xf32>
      %add3A_189 = arith.addf %get3A_184, %sub3A_188 : vector<16xf32>
      %swap3A_190 = arith.index_cast %scan3A_52 : i32 to index
      %swap3A_191 = arith.constant 160 : index
      %swap3A_192 = tpu.vector_load %arg9[%swap3A_190, %swap3A_191] {strides = array<i32>} : memref<128x256xf32, #tpu.memory_space<vmem>>, vector<16xf32>,
      tpu.vector_store %arg9[%swap3A_190, %swap3A_191], %add3A_189 {strides = array<i32>} : memref<128x256xf32, #tpu.memory_space<vmem>>, vector<16xf32>,
      %mul3A_193 = arith.mulf %sub3A_188, %sub3A_188 : vector<16xf32>
      %add3A_194 = arith.addf %add3A_181, %mul3A_193 : vector<16xf32>
      %get3A_195 = arith.index_cast %scan3A_52 : i32 to index
      %get3A_196 = arith.constant 176 : index
      %get3A_197 = tpu.vector_load %arg10[%get3A_195, %get3A_196] {strides = array<i32>} : memref<128x256xf32, #tpu.memory_space<vmem>>, vector<16xf32>,
      %get3A_198 = arith.index_cast %scan3A_52 : i32 to index
      %get3A_199 = arith.constant 176 : index
      %get3A_200 = tpu.vector_load %arg9[%get3A_198, %get3A_199] {strides = array<i32>} : memref<128x256xf32, #tpu.memory_space<vmem>>, vector<16xf32>,
      %sub3A_201 = arith.subf %get3A_200, %get3A_197 : vector<16xf32>
      %add3A_202 = arith.addf %get3A_197, %sub3A_201 : vector<16xf32>
      %swap3A_203 = arith.index_cast %scan3A_52 : i32 to index
      %swap3A_204 = arith.constant 176 : index
      %swap3A_205 = tpu.vector_load %arg9[%swap3A_203, %swap3A_204] {strides = array<i32>} : memref<128x256xf32, #tpu.memory_space<vmem>>, vector<16xf32>,
      tpu.vector_store %arg9[%swap3A_203, %swap3A_204], %add3A_202 {strides = array<i32>} : memref<128x256xf32, #tpu.memory_space<vmem>>, vector<16xf32>,
      %mul3A_206 = arith.mulf %sub3A_201, %sub3A_201 : vector<16xf32>
      %add3A_207 = arith.addf %add3A_194, %mul3A_206 : vector<16xf32>
      %get3A_208 = arith.index_cast %scan3A_52 : i32 to index
      %get3A_209 = arith.constant 192 : index
      %get3A_210 = tpu.vector_load %arg10[%get3A_208, %get3A_209] {strides = array<i32>} : memref<128x256xf32, #tpu.memory_space<vmem>>, vector<16xf32>,
      %get3A_211 = arith.index_cast %scan3A_52 : i32 to index
      %get3A_212 = arith.constant 192 : index
      %get3A_213 = tpu.vector_load %arg9[%get3A_211, %get3A_212] {strides = array<i32>} : memref<128x256xf32, #tpu.memory_space<vmem>>, vector<16xf32>,
      %sub3A_214 = arith.subf %get3A_213, %get3A_210 : vector<16xf32>
      %add3A_215 = arith.addf %get3A_210, %sub3A_214 : vector<16xf32>
      %swap3A_216 = arith.index_cast %scan3A_52 : i32 to index
      %swap3A_217 = arith.constant 192 : index
      %swap3A_218 = tpu.vector_load %arg9[%swap3A_216, %swap3A_217] {strides = array<i32>} : memref<128x256xf32, #tpu.memory_space<vmem>>, vector<16xf32>,
      tpu.vector_store %arg9[%swap3A_216, %swap3A_217], %add3A_215 {strides = array<i32>} : memref<128x256xf32, #tpu.memory_space<vmem>>, vector<16xf32>,
      %mul3A_219 = arith.mulf %sub3A_214, %sub3A_214 : vector<16xf32>
      %add3A_220 = arith.addf %add3A_207, %mul3A_219 : vector<16xf32>
      %get3A_221 = arith.index_cast %scan3A_52 : i32 to index
      %get3A_222 = arith.constant 208 : index
      %get3A_223 = tpu.vector_load %arg10[%get3A_221, %get3A_222] {strides = array<i32>} : memref<128x256xf32, #tpu.memory_space<vmem>>, vector<16xf32>,
      %get3A_224 = arith.index_cast %scan3A_52 : i32 to index
      %get3A_225 = arith.constant 208 : index
      %get3A_226 = tpu.vector_load %arg9[%get3A_224, %get3A_225] {strides = array<i32>} : memref<128x256xf32, #tpu.memory_space<vmem>>, vector<16xf32>,
      %sub3A_227 = arith.subf %get3A_226, %get3A_223 : vector<16xf32>
      %add3A_228 = arith.addf %get3A_223, %sub3A_227 : vector<16xf32>
      %swap3A_229 = arith.index_cast %scan3A_52 : i32 to index
      %swap3A_230 = arith.constant 208 : index
      %swap3A_231 = tpu.vector_load %arg9[%swap3A_229, %swap3A_230] {strides = array<i32>} : memref<128x256xf32, #tpu.memory_space<vmem>>, vector<16xf32>,
      tpu.vector_store %arg9[%swap3A_229, %swap3A_230], %add3A_228 {strides = array<i32>} : memref<128x256xf32, #tpu.memory_space<vmem>>, vector<16xf32>,
      %mul3A_232 = arith.mulf %sub3A_227, %sub3A_227 : vector<16xf32>
      %add3A_233 = arith.addf %add3A_220, %mul3A_232 : vector<16xf32>
      %get3A_234 = arith.index_cast %scan3A_52 : i32 to index
      %get3A_235 = arith.constant 224 : index
      %get3A_236 = tpu.vector_load %arg10[%get3A_234, %get3A_235] {strides = array<i32>} : memref<128x256xf32, #tpu.memory_space<vmem>>, vector<16xf32>,
      %get3A_237 = arith.index_cast %scan3A_52 : i32 to index
      %get3A_238 = arith.constant 224 : index
      %get3A_239 = tpu.vector_load %arg9[%get3A_237, %get3A_238] {strides = array<i32>} : memref<128x256xf32, #tpu.memory_space<vmem>>, vector<16xf32>,
      %sub3A_240 = arith.subf %get3A_239, %get3A_236 : vector<16xf32>
      %add3A_241 = arith.addf %get3A_236, %sub3A_240 : vector<16xf32>
      %swap3A_242 = arith.index_cast %scan3A_52 : i32 to index
      %swap3A_243 = arith.constant 224 : index
      %swap3A_244 = tpu.vector_load %arg9[%swap3A_242, %swap3A_243] {strides = array<i32>} : memref<128x256xf32, #tpu.memory_space<vmem>>, vector<16xf32>,
      tpu.vector_store %arg9[%swap3A_242, %swap3A_243], %add3A_241 {strides = array<i32>} : memref<128x256xf32, #tpu.memory_space<vmem>>, vector<16xf32>,
      %mul3A_245 = arith.mulf %sub3A_240, %sub3A_240 : vector<16xf32>
      %add3A_246 = arith.addf %add3A_233, %mul3A_245 : vector<16xf32>
      %get3A_247 = arith.index_cast %scan3A_52 : i32 to index
      %get3A_248 = arith.constant 240 : index
      %get3A_249 = tpu.vector_load %arg10[%get3A_247, %get3A_248] {strides = array<i32>} : memref<128x256xf32, #tpu.memory_space<vmem>>, vector<16xf32>,
      %get3A_250 = arith.index_cast %scan3A_52 : i32 to index
      %get3A_251 = arith.constant 240 : index
      %get3A_252 = tpu.vector_load %arg9[%get3A_250, %get3A_251] {strides = array<i32>} : memref<128x256xf32, #tpu.memory_space<vmem>>, vector<16xf32>,
      %sub3A_253 = arith.subf %get3A_252, %get3A_249 : vector<16xf32>
      %add3A_254 = arith.addf %get3A_249, %sub3A_253 : vector<16xf32>
      %swap3A_255 = arith.index_cast %scan3A_52 : i32 to index
      %swap3A_256 = arith.constant 240 : index
      %swap3A_257 = tpu.vector_load %arg9[%swap3A_255, %swap3A_256] {strides = array<i32>} : memref<128x256xf32, #tpu.memory_space<vmem>>, vector<16xf32>,
      tpu.vector_store %arg9[%swap3A_255, %swap3A_256], %add3A_254 {strides = array<i32>} : memref<128x256xf32, #tpu.memory_space<vmem>>, vector<16xf32>,
      %mul3A_258 = arith.mulf %sub3A_253, %sub3A_253 : vector<16xf32>
      %add3A_259 = arith.addf %add3A_246, %mul3A_258 : vector<16xf32>
      scf.yield %add3A_259 : vector<16xf32>
    }
    %scan3A_50 = arith.constant 128 : i32
    "tpu.region"() ({
      %run_scoped3A = tpu.sem_alloc : memref<!tpu.dma_semaphore, #tpu.memory_space<semaphore_mem>>
      %dma_start3A_52 = arith.constant 0 : i32
      %dma_start3A_53 = tpu.memref_slice %arg5[%add3A_34, %dma_start3A_52] : memref<8192x256xf32, #tpu.memory_space<hbm>> -> memref<128x256xf32, #tpu.memory_space<hbm>>
      %dma_start3A_54 = arith.constant 0 : i32
      %dma_start3A_55 = tpu.memref_slice %arg5[%add3A_34, %dma_start3A_54] : memref<8192x256xf32, #tpu.memory_space<hbm>> -> memref<128x256xf32, #tpu.memory_space<hbm>>
      tpu.enqueue_dma source(%arg9 : memref<128x256xf32, #tpu.memory_space<vmem>>) target(%dma_start3A_55 : memref<128x256xf32, #tpu.memory_space<hbm>>) target_semaphore(%run_scoped3A : memref<!tpu.dma_semaphore, #tpu.memory_space<semaphore_mem>>)
      %dma_wait3A_56 = arith.constant 0 : i32
      %dma_wait3A_57 = tpu.memref_slice %arg5[%add3A_34, %dma_wait3A_56] : memref<8192x256xf32, #tpu.memory_space<hbm>> -> memref<128x256xf32, #tpu.memory_space<hbm>>
      %dma_wait3A_58 = arith.constant 0 : i32
      %dma_wait3A_59 = tpu.memref_slice %arg5[%add3A_34, %dma_wait3A_58] : memref<8192x256xf32, #tpu.memory_space<hbm>> -> memref<128x256xf32, #tpu.memory_space<hbm>>
      tpu.wait_dma2 semaphore(%run_scoped3A : memref<!tpu.dma_semaphore, #tpu.memory_space<semaphore_mem>>) src(%arg9 : memref<128x256xf32, #tpu.memory_space<vmem>>) dst(%dma_wait3A_59 : memref<128x256xf32, #tpu.memory_space<hbm>>)
      tpu.yield
    }) : () -> ()
    %swap3A = arith.constant 0 : index
    %swap3A_51 = tpu.vector_load %arg12[%swap3A] {strides = array<i32>} : memref<16xf32, #tpu.memory_space<vmem>>, vector<16xf32>,
    tpu.vector_store %arg12[%swap3A], %scan3A_49 {strides = array<i32>} : memref<16xf32, #tpu.memory_space<vmem>>, vector<16xf32>,
    "tpu.region"() ({
      %run_scoped3A = tpu.sem_alloc : memref<!tpu.dma_semaphore, #tpu.memory_space<semaphore_mem>>
      %dma_start3A_52 = arith.constant 0 : i32
      %dma_start3A_53 = tpu.memref_slice %arg7[%add3A, %dma_start3A_52] : memref<32x16xf32, #tpu.memory_space<hbm>> -> memref<1x16xf32, #tpu.memory_space<hbm>>
      %dma_start3A_54 = tpu.memref_squeeze %dma_start3A_53 : memref<1x16xf32, #tpu.memory_space<hbm>> -> memref<16xf32, #tpu.memory_space<hbm>>
      %dma_start3A_55 = arith.constant 0 : i32
      %dma_start3A_56 = tpu.memref_slice %arg7[%add3A, %dma_start3A_55] : memref<32x16xf32, #tpu.memory_space<hbm>> -> memref<1x16xf32, #tpu.memory_space<hbm>>
      %dma_start3A_57 = tpu.memref_squeeze %dma_start3A_56 : memref<1x16xf32, #tpu.memory_space<hbm>> -> memref<16xf32, #tpu.memory_space<hbm>>
      tpu.enqueue_dma source(%arg12 : memref<16xf32, #tpu.memory_space<vmem>>) target(%dma_start3A_57 : memref<16xf32, #tpu.memory_space<hbm>>) target_semaphore(%run_scoped3A : memref<!tpu.dma_semaphore, #tpu.memory_space<semaphore_mem>>)
      %dma_wait3A_58 = arith.constant 0 : i32
      %dma_wait3A_59 = tpu.memref_slice %arg7[%add3A, %dma_wait3A_58] : memref<32x16xf32, #tpu.memory_space<hbm>> -> memref<1x16xf32, #tpu.memory_space<hbm>>
      %dma_wait3A_60 = tpu.memref_squeeze %dma_wait3A_59 : memref<1x16xf32, #tpu.memory_space<hbm>> -> memref<16xf32, #tpu.memory_space<hbm>>
      %dma_wait3A_61 = arith.constant 0 : i32
      %dma_wait3A_62 = tpu.memref_slice %arg7[%add3A, %dma_wait3A_61] : memref<32x16xf32, #tpu.memory_space<hbm>> -> memref<1x16xf32, #tpu.memory_space<hbm>>
      %dma_wait3A_63 = tpu.memref_squeeze %dma_wait3A_62 : memref<1x16xf32, #tpu.memory_space<hbm>> -> memref<16xf32, #tpu.memory_space<hbm>>
      tpu.wait_dma2 semaphore(%run_scoped3A : memref<!tpu.dma_semaphore, #tpu.memory_space<semaphore_mem>>) src(%arg12 : memref<16xf32, #tpu.memory_space<vmem>>) dst(%dma_wait3A_63 : memref<16xf32, #tpu.memory_space<hbm>>)
      tpu.yield
    }) : () -> ()
    return
  }
}

module attributes {stable_mosaic.version = 14 : i64} {
  func.func @_dist_body(%arg0: i32, %arg1: memref<512x1xf32, #tpu.memory_space<vmem>>, %arg2: memref<1x8192xf32, #tpu.memory_space<vmem>>, %arg3: memref<512x256xf32, #tpu.memory_space<vmem>>, %arg4: memref<8192x256xf32, #tpu.memory_space<vmem>>, %arg5: memref<1x512x8192xf32, #tpu.memory_space<vmem>>, %arg6: memref<512xi32, #tpu.memory_space<vmem>>) attributes {dimension_semantics = [#tpu.dimension_semantics<arbitrary>], iteration_bounds = array<i64: 16>, scalar_prefetch = 0 : i64, scratch_operands = 0 : i64, tpu.core_type = #tpu.core_type<tc>, window_params = [{transform_indices = @transform_0, window_bounds = array<i64: 512, 1>}, {pipeline_mode = #tpu.pipeline_mode<synchronous>, transform_indices = @transform_1, window_bounds = array<i64: 1, 8192>}, {transform_indices = @transform_2, window_bounds = array<i64: 512, 256>}, {pipeline_mode = #tpu.pipeline_mode<synchronous>, transform_indices = @transform_3, window_bounds = array<i64: 8192, 256>}, {transform_indices = @transform_4, window_bounds = array<i64: 1, 512, 8192>}, {transform_indices = @transform_5, window_bounds = array<i64: 512>}]} {
    %get3A = arith.constant 0 : index
    %get3A_0 = arith.constant 0 : index
    %get3A_1 = vector.load %arg3[%get3A, %get3A_0] : memref<512x256xf32, #tpu.memory_space<vmem>>, vector<512x256xf32>
    %get3A_2 = arith.constant 0 : index
    %get3A_3 = arith.constant 0 : index
    %get3A_4 = vector.load %arg4[%get3A_2, %get3A_3] : memref<8192x256xf32, #tpu.memory_space<vmem>>, vector<8192x256xf32>
    %dot_general3A = arith.constant dense<0.000000e+00> : vector<512x8192xf32>
    %dot_general3A_5 = tpu.matmul %get3A_1, %get3A_4, %dot_general3A {dimension_numbers = #tpu.dot_dimension_numbers<[1], [1], [0], [0], [0, 0, 1, 0], [], []>, transpose_lhs_hint = false} : vector<512x256xf32>, vector<8192x256xf32>, vector<512x8192xf32> -> vector<512x8192xf32>
    %get3A_6 = arith.constant 0 : index
    %get3A_7 = arith.constant 0 : index
    %get3A_8 = vector.load %arg1[%get3A_6, %get3A_7] : memref<512x1xf32, #tpu.memory_space<vmem>>, vector<512x1xf32>
    %mul3A = arith.constant 2.000000e+00 : f32
    %mul3A_9 = vector.broadcast %mul3A : f32 to vector<512x8192xf32>
    %mul3A_10 = arith.mulf %mul3A_9, %dot_general3A_5 : vector<512x8192xf32>
    %sub3A = vector.broadcast %get3A_8 : vector<512x1xf32> to vector<512x8192xf32>
    %sub3A_11 = arith.subf %sub3A, %mul3A_10 : vector<512x8192xf32>
    %get3A_12 = arith.constant 0 : index
    %get3A_13 = arith.constant 0 : index
    %get3A_14 = vector.load %arg2[%get3A_12, %get3A_13] : memref<1x8192xf32, #tpu.memory_space<vmem>>, vector<1x8192xf32>
    %add3A = vector.broadcast %get3A_14 : vector<1x8192xf32> to vector<512x8192xf32>
    %add3A_15 = arith.addf %sub3A_11, %add3A : vector<512x8192xf32>
    %broadcast_in_dim3A = vector.shape_cast %add3A_15 : vector<512x8192xf32> to vector<1x512x8192xf32>
    %swap3A = arith.constant 0 : index
    %swap3A_16 = arith.constant 0 : index
    %swap3A_17 = arith.constant 0 : index
    %swap3A_18 = vector.load %arg5[%swap3A, %swap3A_16, %swap3A_17] : memref<1x512x8192xf32, #tpu.memory_space<vmem>>, vector<1x512x8192xf32>
    tpu.vector_store %arg5[%swap3A, %swap3A_16, %swap3A_17], %broadcast_in_dim3A {strides = array<i32>} : memref<1x512x8192xf32, #tpu.memory_space<vmem>>, vector<1x512x8192xf32>,
    %argmin3A = tpu.reduce_index %add3A_15 {axis = 1 : i32, kind = #tpu.reduction_kind<arg_min>} : vector<512x8192xf32> -> vector<512xi32>
    %swap3A_19 = arith.constant 0 : index
    %swap3A_20 = vector.load %arg6[%swap3A_19] : memref<512xi32, #tpu.memory_space<vmem>>, vector<512xi32>
    tpu.vector_store %arg6[%swap3A_19], %argmin3A {strides = array<i32>} : memref<512xi32, #tpu.memory_space<vmem>>, vector<512xi32>,
    return
  }
  func.func @transform_0(%arg0: i32) -> (i32, i32) {
    %c0_i32 = arith.constant 0 : i32
    %c0_i32_0 = arith.constant 0 : i32
    return %arg0, %c0_i32 : i32, i32
  }
  func.func @transform_1(%arg0: i32) -> (i32, i32) {
    %c0_i32 = arith.constant 0 : i32
    %c0_i32_0 = arith.constant 0 : i32
    %c0_i32_1 = arith.constant 0 : i32
    return %c0_i32, %c0_i32_0 : i32, i32
  }
  func.func @transform_2(%arg0: i32) -> (i32, i32) {
    %c0_i32 = arith.constant 0 : i32
    %c0_i32_0 = arith.constant 0 : i32
    return %arg0, %c0_i32 : i32, i32
  }
  func.func @transform_3(%arg0: i32) -> (i32, i32) {
    %c0_i32 = arith.constant 0 : i32
    %c0_i32_0 = arith.constant 0 : i32
    %c0_i32_1 = arith.constant 0 : i32
    return %c0_i32, %c0_i32_0 : i32, i32
  }
  func.func @transform_4(%arg0: i32) -> (i32, i32, i32) {
    %jit3A = arith.constant 2 : i32
    %div3A = arith.divsi %arg0, %jit3A : i32
    %sign3A = arith.constant 0 : i32
    %sign3A_0 = arith.cmpi sgt, %arg0, %sign3A : i32
    %sign3A_1 = arith.extui %sign3A_0 : i1 to i32
    %sign3A_2 = arith.constant 0 : i32
    %sign3A_3 = arith.cmpi slt, %arg0, %sign3A_2 : i32
    %sign3A_4 = arith.extui %sign3A_3 : i1 to i32
    %sign3A_5 = arith.subi %sign3A_1, %sign3A_4 : i32
    %sign3A_6 = arith.constant 0 : i32
    %sign3A_7 = arith.cmpi sgt, %jit3A, %sign3A_6 : i32
    %sign3A_8 = arith.extui %sign3A_7 : i1 to i32
    %sign3A_9 = arith.constant 0 : i32
    %sign3A_10 = arith.cmpi slt, %jit3A, %sign3A_9 : i32
    %sign3A_11 = arith.extui %sign3A_10 : i1 to i32
    %sign3A_12 = arith.subi %sign3A_8, %sign3A_11 : i32
    %ne3A = arith.cmpi ne, %sign3A_5, %sign3A_12 : i32
    %rem3A = arith.remsi %arg0, %jit3A : i32
    %ne3A_13 = arith.constant 0 : i32
    %ne3A_14 = arith.cmpi ne, %rem3A, %ne3A_13 : i32
    %and3A = arith.andi %ne3A, %ne3A_14 : i1
    %sub3A = arith.constant 1 : i32
    %sub3A_15 = arith.subi %div3A, %sub3A : i32
    %select_n3A = arith.select %and3A, %sub3A_15, %div3A : i32
    %jit3A_16 = arith.constant 2 : i32
    %eq3A = arith.constant 0 : i32
    %eq3A_17 = arith.cmpi eq, %jit3A_16, %eq3A : i32
    %jit3A_18 = arith.constant 1 : i32
    %select_n3A_19 = arith.select %eq3A_17, %jit3A_18, %jit3A_16 : i32
    %rem3A_20 = arith.remsi %arg0, %select_n3A_19 : i32
    %ne3A_21 = arith.constant 0 : i32
    %ne3A_22 = arith.cmpi ne, %rem3A_20, %ne3A_21 : i32
    %lt3A = arith.constant 0 : i32
    %lt3A_23 = arith.cmpi slt, %rem3A_20, %lt3A : i32
    %lt3A_24 = arith.constant 0 : i32
    %lt3A_25 = arith.cmpi slt, %select_n3A_19, %lt3A_24 : i32
    %ne3A_26 = arith.xori %lt3A_23, %lt3A_25 : i1
    %and3A_27 = arith.andi %ne3A_26, %ne3A_22 : i1
    %add3A = arith.addi %rem3A_20, %select_n3A_19 : i32
    %select_n3A_28 = arith.select %and3A_27, %add3A, %rem3A_20 : i32
    %c0_i32 = arith.constant 0 : i32
    %c0_i32_29 = arith.constant 0 : i32
    return %select_n3A, %select_n3A_28, %c0_i32 : i32, i32, i32
  }
  func.func @transform_5(%arg0: i32) -> i32 {
    %c0_i32 = arith.constant 0 : i32
    return %arg0 : i32
  }
}

</mosaic_0001>

<sc_bundles>
// kernel: kernel.4.cloned.1.call-start
scs
__scs_entry_jumppad:
0x0: {  	(pc) =	sbr.rel $0x88, $3  }
0x1: {  	(tag) =	ssettag $0x0;
	lr =	simm.s32 $0x1  }
0x2: {  	[smem:$0x3F9F] =	sst lr;
	_ =	strace $0xD0000000  }
0x3: {  	_ = 	snop  }
0x4: {  	_ = 	snop  }
0x5: {  	_ = 	snop  }
0x6: {  	_ = 	snop  }
0x7: {  	_ = 	snop  }
__scs_overlays_trampoline_lowered:
0x8: {  	[smem:$0x3FAE] =	sst s0  }
0x9: {  	[smem:$0x3FAF] =	sst s1  }
0xa: {  	[smem:$0x3FB0] =	sst s2  }
0xb: {  	[smem:$0x3FB1] =	sst s3  }
0xc: {  	[smem:$0x3FB2] =	sst s4  }
0xd: {  	[smem:$0x3FB3] =	sst s5  }
0xe: {  	[smem:$0x3FB4] =	sst s6  }
0xf: {  	[smem:$0x3FB5] =	sst s7  }
0x10: {  	[smem:$0x3FB6] =	sst s8  }
0x11: {  	[smem:$0x3FB7] =	sst s9;
	s0 =	simm.s32 @!p0 $0x0  }
0x12: {  	s1 =	sld [smem:$0x3F9D];
	s0 =	simm.s32 @p0 $0x1  }
0x13: {  	[smem:$0x3FB8] =	sst s0;
	s0 =	simm.s32 @!p1 $0x0  }
0x14: {  	s2 =	sld [smem:$0x3F9C];
	s0 =	simm.s32 @p1 $0x1  }
0x15: {  	[smem:$0x3FB9] =	sst s0;
	s0 =	simm.s32 @!p2 $0x0  }
0x16: {  	s3 =	sld [smem:$0x3FDB];
	s0 =	simm.s32 @p2 $0x1  }
0x17: {  	s4 =	simm.s32 $0x1BF5;
	[smem:$0x3FBB] =	sst s0  }
0x18: {  	s0 =	sld [smem:$0x3F9E];
	_ =	swait.ge [sflag:s4], $0x0  }
0x19: {  	s7 =	sld [smem:$0x3F9F]  }
0x1a: {  	s8 =	sadd.s32 $0xFFFFE003, lr  }
0x1b: {  	s9 =	sadd.s32 $0xFFFFFEF7, lr;
	s5 =	simm.s32 $0xFFFFFFFF;
	p2 =	slt.u32 s8, $0xFFFFF086  }
0x1c: {  	p1 =	slt.u32 s9, $0xF7A;
	s5 =	simm.s32 @!p2 $0x0  }
0x1d: {  	s5 =	simm.s32 @p1 $0x1;
	p0 =	seq.s32 s7, s2  }
0x1e: {  	s7 =	smul.u32 @!p0 $0xF7A, s2;
	p2 =	seq.s32 @!p0 s5, $0x0  }
0x1f: {  	s9 =	smul.u32 $0xF7A, s1;
	s8 =	simm.s32 @!p0 $0x1BF5;
	p2 =	por !p2, p0  }
0x20: {  	[sflag:s8] =	ssyncset.s32 @!p0 $0xFFFFF086;
	s6 =	sadd.s32 @!p0 s3, s7;
	s7 =	simm.s32 @!p0 $0x108  }
0x21: {  	s3 =	sadd.s32 s3, s9;
	s6 =	sadd.s32 @!p0 $0x88, s6;
	s7 =	simm.s32 @p2 $0x1082  }
0x22: {  	[simem:s7], [sflag:s8] =	dma.local @!p0 [hbm:s6], $0xF7A  }
0x23: {  	s9 =	sor.u32 $0xD0000000, s2;
	s6 =	simm.s32 $0x108;
	_ =	swait.ge @!p0 [sflag:s8], $0x0  }
0x24: {  	s3 =	sadd.s32 $0x88, s3;
	s6 =	simm.s32 @!p1 $0x1082;
	[sflag:s4] =	ssyncset.s32 $0xFFFFF086  }
0x25: {  	[simem:s6], [sflag:s4] =	dma.local [hbm:s3], $0xF7A  }
0x26: {  	[smem:$0x3F9F] =	sst s1;
	(tag) =	ssettag s2;
	_ =	strace s9  }
0x27: {  	s1 =	sld [smem:$0x3FAF]  }
0x28: {  	s2 =	sld [smem:$0x3FB0]  }
0x29: {  	s4 =	sld [smem:$0x3FB2]  }
0x2a: {  	p0 =	seq.s32 s5, $0x0;
	s5 =	sld [smem:$0x3FB3]  }
0x2b: {  	s6 =	sld [smem:$0x3FB4]  }
0x2c: {  	s7 =	sld [smem:$0x3FB5]  }
0x2d: {  	s3 =	simm.s32 $0x108;
	s8 =	sld [smem:$0x3FB6]  }
0x2e: {  	s3 =	simm.s32 @!p0 $0x1082;
	s9 =	sld [smem:$0x3FB7]  }
0x2f: {  	lr =	sadd.s32 s0, s3;
	s0 =	sld [smem:$0x3FAE]  }
0x30: {  	s3 =	sld [smem:$0x3FB1]  }
0x31: {  	[smem:$0x3FBA] =	sst s10  }
0x32: {  	s10 =	sld [smem:$0x3FB8];
	_ =	sdelay $0x3  }
0x33: {  	p0 =	seq.s32 s10, $0x1;
	s10 =	sld [smem:$0x3FBA];
	_ =	sdelay $0x3  }
0x34: {  	[smem:$0x3FBA] =	sst s10  }
0x35: {  	s10 =	sld [smem:$0x3FB9];
	_ =	sdelay $0x3  }
0x36: {  	p1 =	seq.s32 s10, $0x1;
	s10 =	sld [smem:$0x3FBA];
	_ =	sdelay $0x3  }
0x37: {  	[smem:$0x3FBA] =	sst s10  }
0x38: {  	s10 =	sld [smem:$0x3FBB]  }
0x39: {  	_ = 	snop;
	(pc) =	sbr.ind lr, $3  }
0x3a: {  	_ = 	snop  }
0x3b: {  	_ = 	snop  }
0x3c: {  	p2 =	seq.s32 s10, $0x1;
	s10 =	sld [smem:$0x3FBA]  }
0x3d: {  	_ =	shalt  }
0x3e: {  	_ =	shalt  }
0x3f: {  	_ =	shalt  }
0x40: {  	_ =	shalt  }
0x41: {  	_ =	shalt  }
0x42: {  	_ =	shalt  }
0x43: {  	_ =	shalt  }
0x44: {  	_ =	shalt  }
0x45: {  	_ =	shalt  }
0x46: {  	_ =	shalt  }
0x47: {  	_ =	shalt  }
0x48: {  	_ =	shalt  }
0x49: {  	_ =	shalt  }
0x4a: {  	_ =	shalt  }
0x4b: {  	_ =	shalt  }
0x4c: {  	_ =	shalt  }
0x4d: {  	_ =	shalt  }
0x4e: {  	_ =	shalt  }
0x4f: {  	_ =	shalt  }
0x50: {  	_ =	shalt  }
0x51: {  	_ =	shalt  }
0x52: {  	_ =	shalt  }
0x53: {  	_ =	shalt  }
0x54: {  	_ =	shalt  }
0x55: {  	_ =	shalt  }
0x56: {  	_ =	shalt  }
0x57: {  	_ =	shalt  }
0x58: {  	_ =	shalt  }
0x59: {  	_ =	shalt  }
0x5a: {  	_ =	shalt  }
0x5b: {  	_ =	shalt  }
0x5c: {  	_ =	shalt  }
0x5d: {  	_ =	shalt  }
0x5e: {  	_ =	shalt  }
0x5f: {  	_ =	shalt  }
0x60: {  	_ =	shalt  }
0x61: {  	_ =	shalt  }
0x62: {  	_ =	shalt  }
0x63: {  	_ =	shalt  }
0x64: {  	_ =	shalt  }
0x65: {  	_ =	shalt  }
0x66: {  	_ =	shalt  }
0x67: {  	_ =	shalt  }
0x68: {  	_ =	shalt  }
0x69: {  	_ =	shalt  }
0x6a: {  	_ =	shalt  }
0x6b: {  	_ =	shalt  }
0x6c: {  	_ =	shalt  }
0x6d: {  	_ =	shalt  }
0x6e: {  	_ =	shalt  }
0x6f: {  	_ =	shalt  }
0x70: {  	_ =	shalt  }
0x71: {  	_ =	shalt  }
0x72: {  	_ =	shalt  }
0x73: {  	_ =	shalt  }
0x74: {  	_ =	shalt  }
0x75: {  	_ =	shalt  }
0x76: {  	_ =	shalt  }
0x77: {  	_ =	shalt  }
0x78: {  	_ =	shalt  }
0x79: {  	_ =	shalt  }
0x7a: {  	_ =	shalt  }
0x7b: {  	_ =	shalt  }
0x7c: {  	_ =	shalt  }
0x7d: {  	_ =	shalt  }
0x7e: {  	_ =	shalt  }
0x7f: {  	_ =	shalt  }
0x80: {  	_ =	shalt  }
0x81: {  	_ =	shalt  }
0x82: {  	_ =	shalt  }
0x83: {  	_ =	shalt  }
0x84: {  	_ =	shalt  }
0x85: {  	_ =	shalt  }
0x86: {  	_ =	shalt  }
0x87: {  	_ =	shalt  }
.Lfunc_end0:
.L_simem_size_0:
called_computation_lowered:
.L_overlay_start_0:
0x88: {  	s2 =	sld [smem:$0x3FD9]  }
0x89: {  	s3 =	sld [smem:$0x3FFE];
	_ =	sdelay $0x1  }
0x8a: {  	s1 =	srdreg.scid  }
0x8b: {  	s0 =	sand.u32 $0x1, s1  }
0x8c: {  	s14 =	sshll.u32 s0, $0xA;
	s2 =	sadd.s32 s3, s2  }
0x8d: {  	s2 =	sadd.s32 s2, s14  }
0x8e: {  	[smem:$0x3FC6] =	sst s2  }
0x8f: {  	_ = 	snop  }
0x90: {  	s2 =	sld [smem:$0x3FD0];
	_ =	sdelay $0x1  }
0x91: {  	s15 =	sld [smem:$0x3FC9]  }
0x92: {  	s5 =	simm.s32 $0xA;
	s6 =	simm.s32 $0x10;
	s4 =	sld [smem:$0x3FC8]  }
0x93: {  	[smem:s6], [sflag:s5] =	dma.local [hbm:s2], $0x1  }
0x94: {  	_ =	swait.eq [sflag:s5], $0x1  }
0x95: {  	[sflag:s5] =	ssyncset.done $0x0  }
0x96: {  	[sflag:s5] =	ssyncadd.s32 $0xFFFFFFFF  }
0x97: {  	s16 =	sld [smem:$0x10];
	(tm) =	ssettm $0x1  }
0x98: {  	s17 =	sld [smem:$0x3FFB];
	_ =	sdelay $0x3  }
0x99: {  	_ =	strace s17  }
0x9a: {  	s5 =	sld [smem:$0x3FFC];
	_ =	sdelay $0x3  }
0x9b: {  	_ =	strace s5  }
0x9c: {  	s5 =	sld [smem:$0x3FFD];
	_ =	sdelay $0x3  }
0x9d: {  	_ =	strace s5  }
0x9e: {  	_ =	strace $0x8FFFFFFF  }
0x9f: {  	s18 =	sld [smem:$0x3FDB];
	_ =	sdelay $0x1  }
0xa0: {  	s19 =	simm.s32 $_scs_section_size  }
0xa1: {  	s7 =	simm.s32 $_size__tile_overlayer_lowered;
	s8 =	simm.s32 $_tile_overlayer_lowered  }
0xa2: {  	s22 =	simm.s32 $0x1BFF;
	s21 =	sshll.u32 s8, $0x1;
	s5 =	sadd.s32 s19, s18  }
0xa3: {  	s9 =	simm.s32 $0x0;
	s20 =	sshll.u32 s7, $0x1;
	s7 =	sadd.s32 s21, s5  }
0xa4: {  	[timem:s9], [sflag:s22] =	dma.local [hbm:s7], s20  }
0xa5: {  	_ =	swait.ge [sflag:s22], s20  }
0xa6: {  	s6 =	ssub.s32 $0x0, s20;
	[sflag:s22] =	ssyncset.done $0x0  }
0xa7: {  	[sflag:s22] =	ssyncadd.s32 s6;
	_ =	sdelay $0x1  }
0xa8: {  	s23 =	simm.s32 $0x1B8B  }
0xa9: {  	_ =	swait.ge [sflag:s23], $0x1  }
0xaa: {  	[sflag:s23] =	ssyncset.done $0x0  }
0xab: {  	s25 =	simm.s32 $0x1B8E;
	s24 =	sld [smem:$0x3FFE];
	[sflag:s23] =	ssyncadd.s32 $0xFFFFFFFF  }
0xac: {  	s26 =	simm.s32 $execute0_lowered;
	[smem:$0x3FD2] =	sst s25  }
0xad: {  	s7 =	sshll.u32 s26, $0x1;
	_ =	strace $0x80000046;
	[dreg:$0x1] =	wrdreg $0xFFFFFFFF  }
0xae: {  	s28 =	simm.s32 $_size_execute0_lowered;
	s5 =	sadd.s32 s5, s7;
	[dreg:$0x0] =	wrdreg $0x0  }
0xaf: {  	s7 =	sshll.u32 s28, $0x1;
	[dreg:$0x2] =	wrdreg s5  }
0xb0: {  	[dreg:$0x3] =	wrdreg s7  }
0xb1: {  	[dreg:$0x4] =	wrdreg $0xC0  }
0xb2: {  	_ =	task [dreg:s9], $0x5FFFF  }
0xb3: {  	[dreg:$0x1] =	wrdreg $0xFFFFFFFF  }
0xb4: {  	[dreg:$0x0] =	wrdreg $0x60  }
0xb5: {  	[dreg:$0x2] =	wrdreg s4  }
0xb6: {  	[dreg:$0x3] =	wrdreg s24  }
0xb7: {  	[dreg:$0x4] =	wrdreg s15  }
0xb8: {  	[dreg:$0x5] =	wrdreg s16  }
0xb9: {  	[dreg:$0x6] =	wrdreg $0x9  }
0xba: {  	_ =	task.clear_ibuf [dreg:s9], $0x7FFFF;
	_ =	strace $0x90000046  }
0xbb: {  	s29 =	simm.s32 $0x9;
	_ =	strace $0x80000048  }
0xbc: {  	_ =	swait.ge [sflag:s29], $0x1  }
0xbd: {  	[sflag:s29] =	ssyncadd.s32 $0xFFFFFFFF  }
0xbe: {  	_ =	strace $0x90000048  }
0xbf: {  	_ =	sfence  }
0xc0: {  	s30 =	sld [smem:$0x0];
	_ =	sdelay $0x2  }
0xc1: {  	s31 =	sshll.u32 s1, $0xD;
	s1 =	sshrl.u32 s1, $0x2  }
0xc2: {  	s3 =	sand.u32 $0x4000, s31;
	s1 =	sadd.s32 s1, s30  }
0xc3: {  	s0 =	sor.u32 s3, s0;
	s1 =	sshll.u32 s1, $0x11  }
0xc4: {  	s0 =	sor.u32 s1, s0  }
0xc5: {  	s0 =	sadd.s32 $0x8F2B, s0  }
0xc6: {  	[sflag:s0] =	ssyncadd.remote.s32 $0x1  }
0xc7: {  	_ =	sfence.sel $0xFFFF  }
0xc8: {  	[dreg:$0x0] =	wrdreg $0xFFFFFFFF;
	(pc) =	sbr.abs _section_cstart, $3  }
0xc9: {  	[dreg:$0x1] =	wrdreg $0xFFFFFFFF  }
0xca: {  	_ =	task.clear_ibuf [dreg:s9], $0x2FFFF;
	_ =	strace $0x9FFFFFFF  }
0xcb: {  	(tm) =	ssettm $0x7FFFFFFF  }
tec
execute0_lowered:
.L_overlay_start_1:
0x0: {  	(tag) =	ssettag $0x1  }
0x1: {  	s1 =	rddreg [dreg:$0x0]  }
0x2: {  	s0 =	rddreg [dreg:$0x1]  }
0x3: {  	s2 =	rddreg [dreg:$0x2]  }
0x4: {  	s3 =	srdreg.scid;
	s7 =	stileid.u32  }
0x5: {  	s4 =	rddreg [dreg:$0x3];
	s12 =	simm.s32 $0x2;
	s13 =	simm.s32 $0x10100  }
0x6: {  	s16 =	simm.s32 $0x100;
	s28 =	simm.s32 $0x5900;
	s29 =	simm.s32 $0x6100  }
0x7: {  	s30 =	simm.s32 $0x6900;
	s31 =	simm.s32 $0x7100;
	s14 =	simm.s32 $0x8100  }
0x8: {  	s15 =	simm.s32 $0x0;
	s5 =	sand.u32 $0x1, s3;
	s6 =	sshll.u32 s7, $0x1  }
0x9: {  	s3 =	simm.s32 $0x0;
	s7 =	sshrl.u32 s7, $0x2;
	s6 =	sor.u32 s5, s6  }
0xa: {  	[smem:$0x7FF] =	sst s3;
	s9 =	sshll.u32 s7, $0x10;
	s7 =	sshll.u32 s7, $0xA  }
0xb: {  	s5 =	ssub.s32 $0x2, s5;
	s8 =	sshll.u32 s6, $0x7;
	_ =	strace $0x80000047  }
0xc: {  	s22 =	sshrl.u32 s5, $0x1;
	s23 =	sshll.u32 s6, $0x5;
	s24 =	sshll.u32 s6, $0xD  }
0xd: {  	s8 =	sand.u32 $0x380, s8;
	s11 =	ssub.s32 s5, s22;
	s26 =	sor.u32 $0x1000, s24  }
0xe: {  	s6 =	sadd.s32 s2, s24;
	s22 =	simm.s32 $0x3100;
	s9 =	sor.u32 s9, s8  }
0xf: {  	s7 =	sor.u32 s7, s8;
	s11 =	smax.u32 s11, $0x1;
	s21 =	sshrl.u32 s9, $0x3  }
0x10: {  	s7 =	sshrl.u32 s7, $0x3;
	s9 =	sadd.s32 s4, s26;
	s8 =	sadd.s32 s21, s0  }
0x11: {  	s10 =	sadd.s32 s7, s0;
	s0 =	sadd.s32 s0, s23;
	s7 =	sadd.s32 s4, s24  }
0x12: {  	s21 =	simm.s32 $0x2900;
	s23 =	simm.s32 $0x3900;
	s24 =	simm.s32 $0x4100  }
0x13: {  	v0 =	vimm.f32 $0.0e+00;
	v4 =	vlaneseq.u32;
	[dreg:$0x5] =	wrdreg s0;
	s25 =	sadd.s32 $0x600, s8;
	s8 =	sadd.s32 s2, s26  }
0x14: {  	vm0 =	vmmov $0xffff;
	v1 =	vimm.f32 $1.000000000e+00;
	v3 =	vshrl.u32 v4, $0x3;
	s10 =	sadd.s32 $0x400, s10;
	s26 =	simm.s32 $0x5100;
	s2 =	simm.s32 $0x7900  }
0x15: {  	v2 =	vand.u32 $0x7, v4;
	v4 =	vor.u32 $0x8, v4;
	v3 =	vmul.u32 $0x8, v3;
	s0 =	simm.s32 $0x1;
	[dreg:$0x6] =	wrdreg s25;
	s25 =	simm.s32 $0x4900  }
.LBB2_1:
0x16: {  	s4 =	rddreg [dreg:$0x5]  }
0x17: {  	[tilespmem:s3], [sflag:$0x2] =	stream.linear.gather [hbm4b:s4+s3], $0x100, $0x38;
	[tilespmem:$0x12180] =	vst v63  }
0x18: {  	_ =	swait.ge [sflag:s12], $0x100  }
0x19: {  	[sflag:s12] =	ssyncset.done $0x0  }
0x1a: {  	s17 =	simm.s32 $0x0;
	s4 =	simm.s32 $0x40;
	[sflag:s12] =	ssyncadd.s32 $0xFFFFFF00  }
.LBB2_2:
0x1b: {  	p0 =	sne.s32 s4, $0x7FC0;
	[tilespmem:s17+$0x10100] =	vst v0;
	s17 =	smov.u32 s4;
	s4 =	sadd.s32 $0x40, s4  }
.Ltmp0:
0x1c: {  	(pc) =	sbr.rel @p0 .LBB2_2-.Ltmp0, $2  }
0x1d: {  	_ =	sdelay $0x2  }
0x1e: {  	s17 =	sshra.s32 s17, $0x2  }
0x1f: {  	[tilespmem:s17+$0x10100] =	vst v0  }
0x20: {  	v5 =	vld [tilespmem:$0x0];
	_ =	sdelay $0x7  }
0x21: {  	[tilespmem:v5+s13+$0x0] =	vst.idx.add.f32.msk $0xffff, v1  }
0x22: {  	v5 =	vld [tilespmem:$0x10];
	_ =	sdelay $0x7  }
0x23: {  	[tilespmem:v5+s13+$0x0] =	vst.idx.add.f32.msk $0xffff, v1  }
0x24: {  	v5 =	vld [tilespmem:$0x20];
	_ =	sdelay $0x7  }
0x25: {  	[tilespmem:v5+s13+$0x0] =	vst.idx.add.f32.msk $0xffff, v1  }
0x26: {  	v5 =	vld [tilespmem:$0x30];
	_ =	sdelay $0x7  }
0x27: {  	[tilespmem:v5+s13+$0x0] =	vst.idx.add.f32.msk $0xffff, v1  }
0x28: {  	v5 =	vld [tilespmem:$0x40];
	_ =	sdelay $0x7  }
0x29: {  	[tilespmem:v5+s13+$0x0] =	vst.idx.add.f32.msk $0xffff, v1  }
0x2a: {  	v5 =	vld [tilespmem:$0x50];
	_ =	sdelay $0x7  }
0x2b: {  	[tilespmem:v5+s13+$0x0] =	vst.idx.add.f32.msk $0xffff, v1  }
0x2c: {  	v5 =	vld [tilespmem:$0x60];
	_ =	sdelay $0x7  }
0x2d: {  	[tilespmem:v5+s13+$0x0] =	vst.idx.add.f32.msk $0xffff, v1  }
0x2e: {  	v5 =	vld [tilespmem:$0x70];
	_ =	sdelay $0x7  }
0x2f: {  	[tilespmem:v5+s13+$0x0] =	vst.idx.add.f32.msk $0xffff, v1  }
0x30: {  	v5 =	vld [tilespmem:$0x80];
	_ =	sdelay $0x7  }
0x31: {  	[tilespmem:v5+s13+$0x0] =	vst.idx.add.f32.msk $0xffff, v1  }
0x32: {  	v5 =	vld [tilespmem:$0x90];
	_ =	sdelay $0x7  }
0x33: {  	[tilespmem:v5+s13+$0x0] =	vst.idx.add.f32.msk $0xffff, v1  }
0x34: {  	v5 =	vld [tilespmem:$0xA0];
	_ =	sdelay $0x7  }
0x35: {  	[tilespmem:v5+s13+$0x0] =	vst.idx.add.f32.msk $0xffff, v1  }
0x36: {  	v5 =	vld [tilespmem:$0xB0];
	_ =	sdelay $0x7  }
0x37: {  	[tilespmem:v5+s13+$0x0] =	vst.idx.add.f32.msk $0xffff, v1  }
0x38: {  	v5 =	vld [tilespmem:$0xC0];
	_ =	sdelay $0x7  }
0x39: {  	[tilespmem:v5+s13+$0x0] =	vst.idx.add.f32.msk $0xffff, v1  }
0x3a: {  	v5 =	vld [tilespmem:$0xD0];
	_ =	sdelay $0x7  }
0x3b: {  	[tilespmem:v5+s13+$0x0] =	vst.idx.add.f32.msk $0xffff, v1  }
0x3c: {  	v5 =	vld [tilespmem:$0xE0];
	_ =	sdelay $0x7  }
0x3d: {  	[tilespmem:v5+s13+$0x0] =	vst.idx.add.f32.msk $0xffff, v1  }
0x3e: {  	v5 =	vld [tilespmem:$0xF0];
	_ =	sdelay $0x7  }
0x3f: {  	s4 =	rddreg [dreg:$0x6];
	s5 =	simm.s32 $0x80;
	s20 =	simm.s32 $0x400;
	[tilespmem:v5+s13+$0x0] =	vst.idx.add.f32.msk $0xffff, v1  }
0x40: {  	[hbm4b:s4+s5] =	stream.strided.scatter [tilespmem:s13], [sflag:$0x2], $0x2000, s20, s5, $0x38;
	[tilespmem:$0x12180] =	vst v63  }
0x41: {  	_ =	swait.ge [sflag:s12], $0x2000  }
0x42: {  	[sflag:s12] =	ssyncset.done $0x0  }
0x43: {  	[sflag:s12] =	ssyncadd.s32 $0xFFFFE000  }
0x44: {  	v5 =	vld [tilespmem:$0x0];
	_ =	sdelay $0x4  }
0x45: {  	v6 =	vshll.u32 v5, $0x1  }
0x46: {  	v5 =	vand.u32 $0x7, v5;
	v6 =	vand.u32 $0xFFFFFFF0, v6  }
0x47: {  	v5 =	vor.u32 v5, v6  }
0x48: {  	v6 =	vperm.xlane v5, v2;
	_ =	sdelay $0x1  }
0x49: {  	v5 =	vperm.xlane v5, v4;
	v6 =	vadd.s32 v3, v6;
	_ =	sdelay $0x1  }
0x4a: {  	v5 =	vadd.s32 v3, v5;
	_ =	sdelay $0x1  }
0x4b: {  	s4 =	simm.s32 $0x0  }
0x4c: {  	[tilespmem:s16], [sflag:$0x1] =	stream.indirect_vreg.gather [hbm4b:s1+s4], $0x80, v6, vm0, $0xb8;
	[tilespmem:$0x12180] =	vst v63  }
0x4d: {  	s18 =	simm.s32 $0x900  }
0x4e: {  	[tilespmem:s18], [sflag:$0x1] =	stream.indirect_vreg.gather [hbm4b:s1+s4], $0x80, v5, vm0, $0xb8;
	[tilespmem:$0x12180] =	vst v63  }
0x4f: {  	v5 =	vld [tilespmem:$0x10];
	_ =	sdelay $0x4  }
0x50: {  	v6 =	vshll.u32 v5, $0x1  }
0x51: {  	v5 =	vand.u32 $0x7, v5;
	v6 =	vand.u32 $0xFFFFFFF0, v6  }
0x52: {  	v5 =	vor.u32 v5, v6  }
0x53: {  	v6 =	vperm.xlane v5, v2;
	_ =	sdelay $0x1  }
0x54: {  	v5 =	vperm.xlane v5, v4;
	v6 =	vadd.s32 v3, v6;
	_ =	sdelay $0x1  }
0x55: {  	v5 =	vadd.s32 v3, v5;
	_ =	sdelay $0x1  }
0x56: {  	s19 =	simm.s32 $0x1100  }
0x57: {  	[tilespmem:s19], [sflag:$0x1] =	stream.indirect_vreg.gather [hbm4b:s1+s4], $0x80, v6, vm0, $0xb8;
	[tilespmem:$0x12180] =	vst v63  }
0x58: {  	s20 =	simm.s32 $0x1900  }
0x59: {  	[tilespmem:s20], [sflag:$0x1] =	stream.indirect_vreg.gather [hbm4b:s1+s4], $0x80, v5, vm0, $0xb8;
	[tilespmem:$0x12180] =	vst v63  }
0x5a: {  	v5 =	vld [tilespmem:$0x20];
	_ =	sdelay $0x4  }
0x5b: {  	v6 =	vshll.u32 v5, $0x1  }
0x5c: {  	v5 =	vand.u32 $0x7, v5;
	v6 =	vand.u32 $0xFFFFFFF0, v6  }
0x5d: {  	v5 =	vor.u32 v5, v6  }
0x5e: {  	v6 =	vperm.xlane v5, v2;
	_ =	sdelay $0x1  }
0x5f: {  	v5 =	vperm.xlane v5, v4;
	v6 =	vadd.s32 v3, v6;
	_ =	sdelay $0x1  }
0x60: {  	v5 =	vadd.s32 v3, v5;
	_ =	sdelay $0x1  }
0x61: {  	s17 =	simm.s32 $0x2100  }
0x62: {  	[tilespmem:s17], [sflag:$0x1] =	stream.indirect_vreg.gather [hbm4b:s1+s4], $0x80, v6, vm0, $0xb8;
	[tilespmem:$0x12180] =	vst v63  }
0x63: {  	_ = 	snop  }
0x64: {  	[tilespmem:s21], [sflag:$0x1] =	stream.indirect_vreg.gather [hbm4b:s1+s4], $0x80, v5, vm0, $0xb8;
	[tilespmem:$0x12180] =	vst v63  }
0x65: {  	v5 =	vld [tilespmem:$0x30];
	_ =	sdelay $0x4  }
0x66: {  	v6 =	vshll.u32 v5, $0x1  }
0x67: {  	v5 =	vand.u32 $0x7, v5;
	v6 =	vand.u32 $0xFFFFFFF0, v6  }
0x68: {  	v5 =	vor.u32 v5, v6  }
0x69: {  	v6 =	vperm.xlane v5, v2;
	_ =	sdelay $0x1  }
0x6a: {  	v5 =	vperm.xlane v5, v4;
	v6 =	vadd.s32 v3, v6;
	_ =	sdelay $0x1  }
0x6b: {  	v5 =	vadd.s32 v3, v5;
	_ =	sdelay $0x2  }
0x6c: {  	[tilespmem:s22], [sflag:$0x1] =	stream.indirect_vreg.gather [hbm4b:s1+s4], $0x80, v6, vm0, $0xb8;
	[tilespmem:$0x12180] =	vst v63  }
0x6d: {  	_ = 	snop  }
0x6e: {  	[tilespmem:s23], [sflag:$0x1] =	stream.indirect_vreg.gather [hbm4b:s1+s4], $0x80, v5, vm0, $0xb8;
	[tilespmem:$0x12180] =	vst v63  }
0x6f: {  	v5 =	vld [tilespmem:$0x40];
	_ =	sdelay $0x4  }
0x70: {  	v6 =	vshll.u32 v5, $0x1  }
0x71: {  	v5 =	vand.u32 $0x7, v5;
	v6 =	vand.u32 $0xFFFFFFF0, v6  }
0x72: {  	v5 =	vor.u32 v5, v6  }
0x73: {  	v6 =	vperm.xlane v5, v2;
	_ =	sdelay $0x1  }
0x74: {  	v5 =	vperm.xlane v5, v4;
	v6 =	vadd.s32 v3, v6;
	_ =	sdelay $0x1  }
0x75: {  	v5 =	vadd.s32 v3, v5;
	_ =	sdelay $0x2  }
0x76: {  	[tilespmem:s24], [sflag:$0x1] =	stream.indirect_vreg.gather [hbm4b:s1+s4], $0x80, v6, vm0, $0xb8;
	[tilespmem:$0x12180] =	vst v63  }
0x77: {  	_ = 	snop  }
0x78: {  	[tilespmem:s25], [sflag:$0x1] =	stream.indirect_vreg.gather [hbm4b:s1+s4], $0x80, v5, vm0, $0xb8;
	[tilespmem:$0x12180] =	vst v63  }
0x79: {  	v5 =	vld [tilespmem:$0x50];
	_ =	sdelay $0x4  }
0x7a: {  	v6 =	vshll.u32 v5, $0x1  }
0x7b: {  	v5 =	vand.u32 $0x7, v5;
	v6 =	vand.u32 $0xFFFFFFF0, v6  }
0x7c: {  	v5 =	vor.u32 v5, v6  }
0x7d: {  	v6 =	vperm.xlane v5, v2;
	_ =	sdelay $0x1  }
0x7e: {  	v5 =	vperm.xlane v5, v4;
	v6 =	vadd.s32 v3, v6;
	_ =	sdelay $0x1  }
0x7f: {  	v5 =	vadd.s32 v3, v5;
	_ =	sdelay $0x2  }
0x80: {  	[tilespmem:s26], [sflag:$0x1] =	stream.indirect_vreg.gather [hbm4b:s1+s4], $0x80, v6, vm0, $0xb8;
	[tilespmem:$0x12180] =	vst v63  }
0x81: {  	_ = 	snop  }
0x82: {  	[tilespmem:s28], [sflag:$0x1] =	stream.indirect_vreg.gather [hbm4b:s1+s4], $0x80, v5, vm0, $0xb8;
	[tilespmem:$0x12180] =	vst v63  }
0x83: {  	v5 =	vld [tilespmem:$0x60];
	_ =	sdelay $0x4  }
0x84: {  	v6 =	vshll.u32 v5, $0x1  }
0x85: {  	v5 =	vand.u32 $0x7, v5;
	v6 =	vand.u32 $0xFFFFFFF0, v6  }
0x86: {  	v5 =	vor.u32 v5, v6  }
0x87: {  	v6 =	vperm.xlane v5, v2;
	_ =	sdelay $0x1  }
0x88: {  	v5 =	vperm.xlane v5, v4;
	v6 =	vadd.s32 v3, v6;
	_ =	sdelay $0x1  }
0x89: {  	v5 =	vadd.s32 v3, v5;
	_ =	sdelay $0x2  }
0x8a: {  	[tilespmem:s29], [sflag:$0x1] =	stream.indirect_vreg.gather [hbm4b:s1+s4], $0x80, v6, vm0, $0xb8;
	[tilespmem:$0x12180] =	vst v63  }
0x8b: {  	_ = 	snop  }
0x8c: {  	[tilespmem:s30], [sflag:$0x1] =	stream.indirect_vreg.gather [hbm4b:s1+s4], $0x80, v5, vm0, $0xb8;
	[tilespmem:$0x12180] =	vst v63  }
0x8d: {  	v5 =	vld [tilespmem:$0x70];
	_ =	sdelay $0x4  }
0x8e: {  	v6 =	vshll.u32 v5, $0x1  }
0x8f: {  	v5 =	vand.u32 $0x7, v5;
	v6 =	vand.u32 $0xFFFFFFF0, v6  }
0x90: {  	v5 =	vor.u32 v5, v6  }
0x91: {  	v6 =	vperm.xlane v5, v2;
	_ =	sdelay $0x1  }
0x92: {  	v5 =	vperm.xlane v5, v4;
	v6 =	vadd.s32 v3, v6;
	_ =	sdelay $0x1  }
0x93: {  	v5 =	vadd.s32 v3, v5;
	_ =	sdelay $0x2  }
0x94: {  	[tilespmem:s31], [sflag:$0x1] =	stream.indirect_vreg.gather [hbm4b:s1+s4], $0x80, v6, vm0, $0xb8;
	[tilespmem:$0x12180] =	vst v63  }
0x95: {  	_ = 	snop  }
0x96: {  	[tilespmem:s2], [sflag:$0x1] =	stream.indirect_vreg.gather [hbm4b:s1+s4], $0x80, v5, vm0, $0xb8;
	[tilespmem:$0x12180] =	vst v63  }
0x97: {  	_ =	swait.ge [sflag:s0], $0x8000  }
0x98: {  	[sflag:s0] =	ssyncset.done $0x0  }
0x99: {  	[sflag:s0] =	ssyncadd.s32 $0xFFFF8000  }
0x9a: {  	[tilespmem:s14], [sflag:$0x2] =	stream.linear.gather [hbm4b:s6+s4], $0x8000, $0x38;
	[tilespmem:$0x12180] =	vst v63  }
0x9b: {  	_ =	swait.ge [sflag:s12], $0x8000  }
0x9c: {  	s18 =	sand.u32 $0x7800, s4;
	s4 =	sand.u32 $0x380, s4;
	[sflag:s12] =	ssyncset.done $0x0  }
0x9d: {  	s18 =	sor.u32 s4, s18;
	[sflag:s12] =	ssyncadd.s32 $0xFFFF8000  }
0x9e: {  	v5 =	vld [tilespmem:s18+$0x8520]  }
0x9f: {  	v6 =	vld [tilespmem:s18+$0x510]  }
0xa0: {  	v7 =	vld [tilespmem:s18+$0x8510]  }
0xa1: {  	v8 =	vld [tilespmem:s18+$0x500]  }
0xa2: {  	v9 =	vld [tilespmem:s18+$0x8500]  }
0xa3: {  	v10 =	vld [tilespmem:s18+$0x170]  }
0xa4: {  	v11 =	vld [tilespmem:s18+$0x8170]  }
0xa5: {  	v12 =	vld [tilespmem:s18+$0x160]  }
0xa6: {  	v13 =	vld [tilespmem:s18+$0x8160]  }
0xa7: {  	v14 =	vld [tilespmem:s18+$0x150]  }
0xa8: {  	v15 =	vld [tilespmem:s18+$0x120]  }
0xa9: {  	v16 =	vld [tilespmem:s18+$0x8150]  }
0xaa: {  	v17 =	vld [tilespmem:s18+$0x130]  }
0xab: {  	v18 =	vld [tilespmem:s18+$0x110]  }
0xac: {  	v19 =	vld [tilespmem:s18+$0x8130]  }
0xad: {  	v20 =	vld [tilespmem:s18+$0x8110]  }
0xae: {  	v21 =	vld [tilespmem:s18+$0x100]  }
0xaf: {  	v22 =	vld [tilespmem:s18+$0x570]  }
0xb0: {  	v23 =	vld [tilespmem:s18+$0x8100]  }
0xb1: {  	v24 =	vld [tilespmem:s18+$0x8120];
	v14 =	vsub.f32 v14, v16  }
0xb2: {  	v25 =	vld [tilespmem:s18+$0x550];
	v12 =	vsub.f32 v12, v13;
	v17 =	vsub.f32 v17, v19  }
0xb3: {  	v27 =	vld [tilespmem:s18+$0x140];
	v18 =	vsub.f32 v18, v20;
	v16 =	vadd.f32 v14, v16  }
0xb4: {  	v28 =	vld [tilespmem:s18+$0x8560];
	v10 =	vsub.f32 v10, v11;
	v13 =	vadd.f32 v12, v13  }
0xb5: {  	v30 =	vld [tilespmem:s18+$0x560];
	v26 =	vsub.f32 v8, v9;
	v8 =	vadd.f32 v18, v20;
	[tilespmem:s18+$0x150] =	vst v16  }
0xb6: {  	v6 =	vsub.f32 v6, v7;
	v19 =	vadd.f32 v17, v19;
	[tilespmem:s18+$0x160] =	vst v13;
	v13 =	vld [tilespmem:s18+$0x8550]  }
0xb7: {  	v11 =	vadd.f32 v10, v11;
	[tilespmem:s18+$0x110] =	vst v8;
	v8 =	vadd.f32 v26, v9;
	v9 =	vld [tilespmem:s18+$0x8570]  }
0xb8: {  	v15 =	vsub.f32 v15, v24;
	v20 =	vld [tilespmem:s18+$0x540];
	v7 =	vadd.f32 v6, v7;
	[tilespmem:s18+$0x130] =	vst v19  }
0xb9: {  	s19 =	simm.s32 $0x100;
	s20 =	simm.s32 $0x80;
	v16 =	vld [tilespmem:s18+$0x520];
	[tilespmem:s18+$0x170] =	vst v11  }
0xba: {  	s17 =	sand.u32 $0x380, s20;
	s4 =	sand.u32 $0x7800, s19;
	v24 =	vadd.f32 v15, v24;
	v11 =	vsub.f32 v21, v23;
	v21 =	vld [tilespmem:s18+$0x8140];
	[tilespmem:s18+$0x510] =	vst v7  }
0xbb: {  	s17 =	sor.u32 s17, s4;
	v19 =	vld [tilespmem:s18+$0x8540];
	[tilespmem:s18+$0x500] =	vst v8;
	v7 =	vsub.f32 v25, v13  }
0xbc: {  	v8 =	vld [tilespmem:s17+$0x8520];
	[tilespmem:s18+$0x120] =	vst v24;
	v25 =	vmul.f32 v11, v11;
	v22 =	vsub.f32 v22, v9  }
0xbd: {  	v24 =	vimm.f32 $0.0e+00;
	v29 =	vld [tilespmem:s17+$0x8510];
	v11 =	vadd.f32 v11, v23;
	v13 =	vadd.f32 v7, v13  }
0xbe: {  	v18 =	vmul.f32 v18, v18;
	v16 =	vsub.f32 v16, v5;
	v23 =	vld [tilespmem:s17+$0x170];
	v24 =	vadd.f32 v25, v24  }
0xbf: {  	v9 =	vadd.f32 v22, v9;
	[tilespmem:s18+$0x550] =	vst v13;
	v13 =	vsub.f32 v27, v21;
	v27 =	vld [tilespmem:s17+$0x510]  }
0xc0: {  	v18 =	vadd.f32 v18, v24;
	v24 =	vld [tilespmem:s17+$0x500]  }
0xc1: {  	v15 =	vmul.f32 v15, v15;
	v5 =	vadd.f32 v16, v5;
	v25 =	vld [tilespmem:s17+$0x8500];
	[tilespmem:s18+$0x570] =	vst v9  }
0xc2: {  	v9 =	vsub.f32 v20, v19;
	[tilespmem:s18+$0x100] =	vst v11;
	v11 =	vmul.f32 v17, v17;
	v17 =	vld [tilespmem:s18+$0x8530];
	v20 =	vadd.f32 v13, v21  }
0xc3: {  	v15 =	vadd.f32 v15, v18;
	v18 =	vld [tilespmem:s17+$0x8170];
	[tilespmem:s18+$0x520] =	vst v5  }
0xc4: {  	v30 =	vsub.f32 v30, v28;
	v19 =	vadd.f32 v9, v19;
	[tilespmem:s18+$0x140] =	vst v20;
	v20 =	vld [tilespmem:s18+$0x530]  }
0xc5: {  	v13 =	vmul.f32 v13, v13;
	v11 =	vadd.f32 v11, v15;
	v5 =	vld [tilespmem:s17+$0x8160]  }
0xc6: {  	v15 =	vadd.f32 v30, v28;
	[tilespmem:s18+$0x540] =	vst v19;
	v19 =	vld [tilespmem:s17+$0x130]  }
0xc7: {  	v14 =	vmul.f32 v14, v14;
	v21 =	vmul.f32 v26, v26;
	v26 =	vld [tilespmem:s17+$0x110];
	v11 =	vadd.f32 v13, v11  }
0xc8: {  	v13 =	vld [tilespmem:s17+$0x150];
	[tilespmem:s18+$0x560] =	vst v15  }
0xc9: {  	v12 =	vmul.f32 v12, v12;
	v15 =	vld [tilespmem:s17+$0x8150];
	v11 =	vadd.f32 v14, v11  }
0xca: {  	v14 =	vld [tilespmem:s17+$0x160]  }
0xcb: {  	v10 =	vmul.f32 v10, v10;
	v11 =	vadd.f32 v12, v11;
	v12 =	vld [tilespmem:s17+$0x8130]  }
0xcc: {  	v31 =	vld [tilespmem:s17+$0x120];
	v20 =	vsub.f32 v20, v17  }
0xcd: {  	v10 =	vadd.f32 v10, v11;
	v11 =	vld [tilespmem:s17+$0x8110]  }
0xce: {  	v32 =	vld [tilespmem:s17+$0x8120];
	v17 =	vadd.f32 v20, v17;
	v28 =	vsub.f32 v13, v15  }
0xcf: {  	v6 =	vmul.f32 v6, v6;
	v14 =	vsub.f32 v14, v5;
	v13 =	vadd.f32 v21, v10;
	v21 =	vld [tilespmem:s17+$0x8100]  }
0xd0: {  	v15 =	vadd.f32 v28, v15;
	[tilespmem:s18+$0x530] =	vst v17;
	v17 =	vld [tilespmem:s17+$0x570];
	v10 =	vsub.f32 v19, v12  }
0xd1: {  	v19 =	vld [tilespmem:s17+$0x100];
	v5 =	vadd.f32 v14, v5;
	v6 =	vadd.f32 v6, v13;
	v13 =	vmul.f32 v16, v16  }
0xd2: {  	v34 =	vmul.f32 v7, v7;
	v33 =	vld [tilespmem:s17+$0x520];
	[tilespmem:s17+$0x150] =	vst v15;
	v15 =	vsub.f32 v26, v11;
	v12 =	vadd.f32 v10, v12  }
0xd3: {  	v16 =	vld [tilespmem:s17+$0x8530];
	v26 =	vsub.f32 v23, v18;
	[tilespmem:s17+$0x160] =	vst v5;
	v5 =	vmul.f32 v20, v20;
	v6 =	vadd.f32 v13, v6  }
0xd4: {  	v9 =	vmul.f32 v9, v9;
	v23 =	vld [tilespmem:s17+$0x8540];
	v11 =	vadd.f32 v15, v11;
	[tilespmem:s17+$0x130] =	vst v12;
	v12 =	vsub.f32 v24, v25  }
0xd5: {  	v13 =	vmul.f32 v22, v22;
	v22 =	vld [tilespmem:s17+$0x530];
	v18 =	vadd.f32 v26, v18;
	v24 =	vadd.f32 v5, v6  }
0xd6: {  	v20 =	vld [tilespmem:s17+$0x550];
	v7 =	vmul.f32 v26, v26;
	v6 =	vmul.f32 v14, v14;
	v14 =	vsub.f32 v27, v29  }
0xd7: {  	v5 =	vmul.f32 v28, v28;
	v28 =	vld [tilespmem:s17+$0x540];
	v19 =	vsub.f32 v19, v21;
	[tilespmem:s17+$0x110] =	vst v11;
	v26 =	vadd.f32 v9, v24  }
0xd8: {  	v63 =	vmul.f32 v30, v30;
	v27 =	vld [tilespmem:s17+$0x8570];
	v11 =	vadd.f32 v12, v25;
	[tilespmem:s17+$0x170] =	vst v18;
	v18 =	vsub.f32 v31, v32  }
0xd9: {  	v25 =	vsub.f32 v33, v8;
	v24 =	vld [tilespmem:s17+$0x8550];
	v9 =	vmul.f32 v12, v12;
	v34 =	vadd.f32 v34, v26  }
0xda: {  	v31 =	vadd.f32 v14, v29;
	v29 =	vld [tilespmem:s17+$0x140];
	[tilespmem:s17+$0x500] =	vst v11;
	v11 =	vmul.f32 v14, v14;
	v14 =	vsub.f32 v22, v16  }
0xdb: {  	s19 =	simm.s32 $0x200;
	s18 =	simm.s32 $0x100;
	v12 =	vmul.f32 v25, v25;
	v30 =	vadd.f32 v18, v32;
	v26 =	vld [tilespmem:s17+$0x8140];
	v22 =	vadd.f32 v63, v34  }
.LBB2_4:
0xdc: {  	s20 =	smov.u32 s19  }
0xdd: {  	s4 =	sand.u32 $0x7800, s19;
	s5 =	sand.u32 $0x380, s18;
	v32 =	vmul.f32 v19, v19;
	v33 =	vmul.f32 v14, v14;
	v28 =	vsub.f32 v28, v23;
	v34 =	vld [tilespmem:s17+$0x8560];
	s20 =	sadd.s32 $0x100, s19  }
0xde: {  	p0 =	sne.s32 s19, $0x7F00;
	s4 =	sor.u32 s5, s4;
	v20 =	vsub.f32 v20, v24;
	v13 =	vadd.f32 v13, v22;
	[tilespmem:s17+$0x510] =	vst v31;
	v31 =	vld [tilespmem:s17+$0x560]  }
0xdf: {  	v15 =	vmul.f32 v15, v15;
	v17 =	vsub.f32 v17, v27;
	v22 =	vld [tilespmem:s4+$0x8520];
	[tilespmem:s17+$0x120] =	vst v30;
	v30 =	vmul.f32 v28, v28  }
0xe0: {  	v13 =	vadd.f32 v32, v13;
	v24 =	vadd.f32 v20, v24;
	v32 =	vmul.f32 v20, v20;
	v35 =	vld [tilespmem:s4+$0x510]  }
0xe1: {  	v18 =	vmul.f32 v18, v18;
	v20 =	vsub.f32 v29, v26;
	v27 =	vadd.f32 v17, v27;
	v36 =	vld [tilespmem:s4+$0x8510]  }
0xe2: {  	v19 =	vadd.f32 v19, v21;
	v13 =	vadd.f32 v15, v13;
	v29 =	vld [tilespmem:s4+$0x500];
	[tilespmem:s17+$0x550] =	vst v24  }
0xe3: {  	v10 =	vmul.f32 v10, v10;
	v15 =	vadd.f32 v20, v26;
	v20 =	vmul.f32 v20, v20;
	v24 =	vld [tilespmem:s4+$0x8500];
	[tilespmem:s17+$0x570] =	vst v27  }
0xe4: {  	v18 =	vadd.f32 v18, v13;
	v26 =	vld [tilespmem:s4+$0x170];
	[tilespmem:s17+$0x100] =	vst v19;
	v19 =	vadd.f32 v25, v8;
	v8 =	vmov v22  }
0xe5: {  	v13 =	vmul.f32 v17, v17;
	v25 =	vsub.f32 v31, v34;
	v22 =	vld [tilespmem:s4+$0x8170];
	[tilespmem:s17+$0x140] =	vst v15;
	v15 =	vadd.f32 v28, v23  }
0xe6: {  	v10 =	vadd.f32 v10, v18;
	v23 =	vld [tilespmem:s4+$0x160];
	[tilespmem:s17+$0x520] =	vst v19  }
0xe7: {  	v18 =	vld [tilespmem:s4+$0x8160];
	[tilespmem:s17+$0x540] =	vst v15;
	v15 =	vadd.f32 v25, v34  }
0xe8: {  	v10 =	vadd.f32 v20, v10;
	v17 =	vld [tilespmem:s4+$0x150]  }
0xe9: {  	v19 =	vld [tilespmem:s4+$0x120];
	[tilespmem:s17+$0x560] =	vst v15  }
0xea: {  	v5 =	vadd.f32 v5, v10;
	v15 =	vld [tilespmem:s4+$0x8150]  }
0xeb: {  	v10 =	vld [tilespmem:s4+$0x130]  }
0xec: {  	v5 =	vadd.f32 v6, v5;
	v20 =	vld [tilespmem:s4+$0x110]  }
0xed: {  	v27 =	vld [tilespmem:s4+$0x8130]  }
0xee: {  	v5 =	vadd.f32 v7, v5;
	v28 =	vld [tilespmem:s4+$0x8110]  }
0xef: {  	v31 =	vld [tilespmem:s4+$0x100];
	v6 =	vsub.f32 v17, v15  }
0xf0: {  	v7 =	vadd.f32 v9, v5;
	v9 =	vadd.f32 v14, v16;
	v17 =	vld [tilespmem:s4+$0x570]  }
0xf1: {  	v16 =	vsub.f32 v23, v18;
	v21 =	vld [tilespmem:s4+$0x8100];
	v14 =	vadd.f32 v6, v15;
	v5 =	vmul.f32 v6, v6  }
0xf2: {  	v7 =	vadd.f32 v11, v7;
	v34 =	vld [tilespmem:s4+$0x8120];
	v10 =	vsub.f32 v10, v27;
	[tilespmem:s17+$0x530] =	vst v9;
	s17 =	smov.u32 s4  }
0xf3: {  	v6 =	vmul.f32 v16, v16;
	v9 =	vsub.f32 v26, v22;
	v15 =	vsub.f32 v20, v28;
	[tilespmem:s17+$0x150] =	vst v14;
	v20 =	vld [tilespmem:s17+$0x550]  }
0xf4: {  	v11 =	vadd.f32 v16, v18;
	v12 =	vadd.f32 v12, v7;
	v14 =	vld [tilespmem:s17+$0x520]  }
0xf5: {  	v26 =	vsub.f32 v29, v24;
	v18 =	vadd.f32 v10, v27;
	v7 =	vmul.f32 v9, v9;
	v16 =	vld [tilespmem:s17+$0x8530]  }
0xf6: {  	v27 =	vadd.f32 v15, v28;
	[tilespmem:s17+$0x160] =	vst v11;
	v29 =	vld [tilespmem:s17+$0x530];
	v11 =	vadd.f32 v33, v12  }
0xf7: {  	v12 =	vadd.f32 v9, v22;
	v9 =	vmul.f32 v26, v26;
	v22 =	vsub.f32 v35, v36;
	[tilespmem:s17+$0x130] =	vst v18;
	v23 =	vld [tilespmem:s17+$0x8540]  }
.Ltmp1:
0xf8: {  	v26 =	vadd.f32 v26, v24;
	v33 =	vmul.f32 v25, v25;
	[tilespmem:s17+$0x110] =	vst v27;
	v28 =	vld [tilespmem:s17+$0x540];
	v30 =	vadd.f32 v30, v11;
	(pc) =	sbr.rel @p0 .LBB2_4-.Ltmp1, $4  }
0xf9: {  	v18 =	vsub.f32 v19, v34;
	v11 =	vmul.f32 v22, v22;
	[tilespmem:s17+$0x170] =	vst v12;
	v25 =	vsub.f32 v14, v8;
	v24 =	vld [tilespmem:s17+$0x8550]  }
0xfa: {  	v19 =	vsub.f32 v31, v21;
	[tilespmem:s17+$0x500] =	vst v26;
	v27 =	vld [tilespmem:s17+$0x8570];
	v32 =	vadd.f32 v32, v30  }
0xfb: {  	v31 =	vadd.f32 v22, v36;
	v26 =	vld [tilespmem:s17+$0x8140];
	v12 =	vmul.f32 v25, v25;
	v14 =	vsub.f32 v29, v16  }
0xfc: {  	s18 =	sadd.s32 $0x80, s18;
	s19 =	smov.u32 s20;
	v30 =	vadd.f32 v18, v34;
	v29 =	vld [tilespmem:s17+$0x140];
	v22 =	vadd.f32 v33, v32  }
0xfd: {  	v32 =	vld [tilespmem:s17+$0x8560]  }
0xfe: {  	v33 =	vld [tilespmem:s17+$0x560];
	[tilespmem:s17+$0x510] =	vst v31;
	v25 =	vadd.f32 v25, v8;
	v20 =	vsub.f32 v20, v24  }
0xff: {  	v16 =	vadd.f32 v14, v16;
	[tilespmem:s17+$0x120] =	vst v30;
	v17 =	vsub.f32 v17, v27  }
0x100: {  	[tilespmem:s17+$0x520] =	vst v25;
	v31 =	vadd.f32 v20, v24  }
0x101: {  	[tilespmem:s17+$0x530] =	vst v16;
	v24 =	vsub.f32 v29, v26;
	v27 =	vadd.f32 v17, v27  }
0x102: {  	v29 =	vadd.f32 v19, v21;
	v21 =	vsub.f32 v28, v23;
	[tilespmem:s17+$0x550] =	vst v31  }
0x103: {  	v8 =	vsub.f32 v33, v32;
	v26 =	vadd.f32 v24, v26;
	[tilespmem:s17+$0x570] =	vst v27  }
0x104: {  	[tilespmem:s17+$0x100] =	vst v29;
	v23 =	vadd.f32 v21, v23  }
0x105: {  	v25 =	vadd.f32 v8, v32;
	[tilespmem:s17+$0x140] =	vst v26  }
0x106: {  	[tilespmem:s17+$0x540] =	vst v23  }
0x107: {  	[tilespmem:s17+$0x560] =	vst v25;
	s17 =	simm.s32 $0x0  }
0x108: {  	[hbm4b:s7+s17] =	stream.linear.scatter [tilespmem:s16], [sflag:$0x2], $0x8000, $0x38;
	[tilespmem:$0x12180] =	vst v63  }
0x109: {  	_ =	swait.ge [sflag:s12], $0x8000  }
0x10a: {  	[sflag:s12] =	ssyncset.done $0x0  }
0x10b: {  	[sflag:s12] =	ssyncadd.s32 $0xFFFF8000  }
0x10c: {  	v16 =	vld [tilespmem:$0x80];
	_ =	sdelay $0x4  }
0x10d: {  	v23 =	vshll.u32 v16, $0x1  }
0x10e: {  	v16 =	vand.u32 $0x7, v16;
	v23 =	vand.u32 $0xFFFFFFF0, v23  }
0x10f: {  	v16 =	vor.u32 v16, v23  }
0x110: {  	v23 =	vperm.xlane v16, v2;
	_ =	sdelay $0x1  }
0x111: {  	v16 =	vperm.xlane v16, v4;
	v23 =	vadd.s32 v3, v23;
	_ =	sdelay $0x1  }
0x112: {  	v16 =	vadd.s32 v3, v16;
	_ =	sdelay $0x2  }
0x113: {  	[tilespmem:s16], [sflag:$0x1] =	stream.indirect_vreg.gather [hbm4b:s1+s17], $0x80, v23, vm0, $0xb8;
	[tilespmem:$0x12180] =	vst v63  }
0x114: {  	s4 =	simm.s32 $0x900  }
0x115: {  	[tilespmem:s4], [sflag:$0x1] =	stream.indirect_vreg.gather [hbm4b:s1+s17], $0x80, v16, vm0, $0xb8;
	[tilespmem:$0x12180] =	vst v63  }
0x116: {  	v16 =	vld [tilespmem:$0x90];
	_ =	sdelay $0x4  }
0x117: {  	v23 =	vshll.u32 v16, $0x1  }
0x118: {  	v16 =	vand.u32 $0x7, v16;
	v23 =	vand.u32 $0xFFFFFFF0, v23  }
0x119: {  	v16 =	vor.u32 v16, v23  }
0x11a: {  	v23 =	vperm.xlane v16, v2;
	_ =	sdelay $0x1  }
0x11b: {  	v16 =	vperm.xlane v16, v4;
	v23 =	vadd.s32 v3, v23;
	_ =	sdelay $0x1  }
0x11c: {  	v16 =	vadd.s32 v3, v16;
	_ =	sdelay $0x1  }
0x11d: {  	s19 =	simm.s32 $0x1100  }
0x11e: {  	[tilespmem:s19], [sflag:$0x1] =	stream.indirect_vreg.gather [hbm4b:s1+s17], $0x80, v23, vm0, $0xb8;
	[tilespmem:$0x12180] =	vst v63  }
0x11f: {  	s20 =	simm.s32 $0x1900  }
0x120: {  	[tilespmem:s20], [sflag:$0x1] =	stream.indirect_vreg.gather [hbm4b:s1+s17], $0x80, v16, vm0, $0xb8;
	[tilespmem:$0x12180] =	vst v63  }
0x121: {  	v16 =	vld [tilespmem:$0xA0];
	_ =	sdelay $0x4  }
0x122: {  	v23 =	vshll.u32 v16, $0x1  }
0x123: {  	v16 =	vand.u32 $0x7, v16;
	v23 =	vand.u32 $0xFFFFFFF0, v23  }
0x124: {  	v16 =	vor.u32 v16, v23  }
0x125: {  	v23 =	vperm.xlane v16, v2;
	_ =	sdelay $0x1  }
0x126: {  	v16 =	vperm.xlane v16, v4;
	v23 =	vadd.s32 v3, v23;
	_ =	sdelay $0x1  }
0x127: {  	v16 =	vadd.s32 v3, v16;
	_ =	sdelay $0x1  }
0x128: {  	s5 =	simm.s32 $0x2100  }
0x129: {  	[tilespmem:s5], [sflag:$0x1] =	stream.indirect_vreg.gather [hbm4b:s1+s17], $0x80, v23, vm0, $0xb8;
	[tilespmem:$0x12180] =	vst v63  }
0x12a: {  	_ = 	snop  }
0x12b: {  	[tilespmem:s21], [sflag:$0x1] =	stream.indirect_vreg.gather [hbm4b:s1+s17], $0x80, v16, vm0, $0xb8;
	[tilespmem:$0x12180] =	vst v63  }
0x12c: {  	v16 =	vld [tilespmem:$0xB0];
	_ =	sdelay $0x4  }
0x12d: {  	v23 =	vshll.u32 v16, $0x1  }
0x12e: {  	v16 =	vand.u32 $0x7, v16;
	v23 =	vand.u32 $0xFFFFFFF0, v23  }
0x12f: {  	v16 =	vor.u32 v16, v23  }
0x130: {  	v23 =	vperm.xlane v16, v2;
	_ =	sdelay $0x1  }
0x131: {  	v16 =	vperm.xlane v16, v4;
	v23 =	vadd.s32 v3, v23;
	_ =	sdelay $0x1  }
0x132: {  	v16 =	vadd.s32 v3, v16;
	_ =	sdelay $0x2  }
0x133: {  	[tilespmem:s22], [sflag:$0x1] =	stream.indirect_vreg.gather [hbm4b:s1+s17], $0x80, v23, vm0, $0xb8;
	[tilespmem:$0x12180] =	vst v63  }
0x134: {  	_ = 	snop  }
0x135: {  	[tilespmem:s23], [sflag:$0x1] =	stream.indirect_vreg.gather [hbm4b:s1+s17], $0x80, v16, vm0, $0xb8;
	[tilespmem:$0x12180] =	vst v63  }
0x136: {  	v16 =	vld [tilespmem:$0xC0];
	_ =	sdelay $0x4  }
0x137: {  	v23 =	vshll.u32 v16, $0x1  }
0x138: {  	v16 =	vand.u32 $0x7, v16;
	v23 =	vand.u32 $0xFFFFFFF0, v23  }
0x139: {  	v16 =	vor.u32 v16, v23  }
0x13a: {  	v23 =	vperm.xlane v16, v2;
	_ =	sdelay $0x1  }
0x13b: {  	v16 =	vperm.xlane v16, v4;
	v23 =	vadd.s32 v3, v23;
	_ =	sdelay $0x1  }
0x13c: {  	v16 =	vadd.s32 v3, v16;
	_ =	sdelay $0x2  }
0x13d: {  	[tilespmem:s24], [sflag:$0x1] =	stream.indirect_vreg.gather [hbm4b:s1+s17], $0x80, v23, vm0, $0xb8;
	[tilespmem:$0x12180] =	vst v63  }
0x13e: {  	_ = 	snop  }
0x13f: {  	[tilespmem:s25], [sflag:$0x1] =	stream.indirect_vreg.gather [hbm4b:s1+s17], $0x80, v16, vm0, $0xb8;
	[tilespmem:$0x12180] =	vst v63  }
0x140: {  	v16 =	vld [tilespmem:$0xD0];
	_ =	sdelay $0x4  }
0x141: {  	v23 =	vshll.u32 v16, $0x1  }
0x142: {  	v16 =	vand.u32 $0x7, v16;
	v23 =	vand.u32 $0xFFFFFFF0, v23  }
0x143: {  	v16 =	vor.u32 v16, v23  }
0x144: {  	v23 =	vperm.xlane v16, v2;
	_ =	sdelay $0x1  }
0x145: {  	v16 =	vperm.xlane v16, v4;
	v23 =	vadd.s32 v3, v23;
	_ =	sdelay $0x1  }
0x146: {  	v16 =	vadd.s32 v3, v16;
	_ =	sdelay $0x2  }
0x147: {  	[tilespmem:s26], [sflag:$0x1] =	stream.indirect_vreg.gather [hbm4b:s1+s17], $0x80, v23, vm0, $0xb8;
	[tilespmem:$0x12180] =	vst v63  }
0x148: {  	_ = 	snop  }
0x149: {  	[tilespmem:s28], [sflag:$0x1] =	stream.indirect_vreg.gather [hbm4b:s1+s17], $0x80, v16, vm0, $0xb8;
	[tilespmem:$0x12180] =	vst v63  }
0x14a: {  	v16 =	vld [tilespmem:$0xE0];
	_ =	sdelay $0x4  }
0x14b: {  	v23 =	vshll.u32 v16, $0x1  }
0x14c: {  	v16 =	vand.u32 $0x7, v16;
	v23 =	vand.u32 $0xFFFFFFF0, v23  }
0x14d: {  	v16 =	vor.u32 v16, v23  }
0x14e: {  	v23 =	vperm.xlane v16, v2;
	_ =	sdelay $0x1  }
0x14f: {  	v16 =	vperm.xlane v16, v4;
	v23 =	vadd.s32 v3, v23;
	_ =	sdelay $0x1  }
0x150: {  	v16 =	vadd.s32 v3, v16;
	_ =	sdelay $0x2  }
0x151: {  	[tilespmem:s29], [sflag:$0x1] =	stream.indirect_vreg.gather [hbm4b:s1+s17], $0x80, v23, vm0, $0xb8;
	[tilespmem:$0x12180] =	vst v63  }
0x152: {  	_ = 	snop  }
0x153: {  	[tilespmem:s30], [sflag:$0x1] =	stream.indirect_vreg.gather [hbm4b:s1+s17], $0x80, v16, vm0, $0xb8;
	[tilespmem:$0x12180] =	vst v63  }
0x154: {  	v16 =	vld [tilespmem:$0xF0];
	_ =	sdelay $0x4  }
0x155: {  	v23 =	vshll.u32 v16, $0x1  }
0x156: {  	v16 =	vand.u32 $0x7, v16;
	v23 =	vand.u32 $0xFFFFFFF0, v23  }
0x157: {  	v16 =	vor.u32 v16, v23  }
0x158: {  	v23 =	vperm.xlane v16, v2;
	_ =	sdelay $0x1  }
0x159: {  	v16 =	vperm.xlane v16, v4;
	v23 =	vadd.s32 v3, v23;
	_ =	sdelay $0x1  }
0x15a: {  	v16 =	vadd.s32 v3, v16;
	_ =	sdelay $0x2  }
0x15b: {  	[tilespmem:s31], [sflag:$0x1] =	stream.indirect_vreg.gather [hbm4b:s1+s17], $0x80, v23, vm0, $0xb8;
	[tilespmem:$0x12180] =	vst v63  }
0x15c: {  	_ = 	snop  }
0x15d: {  	v13 =	vadd.f32 v13, v22;
	v19 =	vmul.f32 v19, v19;
	[tilespmem:s2], [sflag:$0x1] =	stream.indirect_vreg.gather [hbm4b:s1+s17], $0x80, v16, vm0, $0xb8;
	[tilespmem:$0x12180] =	vst v63  }
0x15e: {  	_ =	swait.ge [sflag:s0], $0x8000  }
0x15f: {  	v15 =	vmul.f32 v15, v15;
	v13 =	vadd.f32 v19, v13;
	[sflag:s0] =	ssyncset.done $0x0  }
0x160: {  	[sflag:s0] =	ssyncadd.s32 $0xFFFF8000  }
0x161: {  	v13 =	vadd.f32 v15, v13;
	v16 =	vmul.f32 v18, v18;
	[tilespmem:s14], [sflag:$0x2] =	stream.linear.gather [hbm4b:s8+s17], $0x8000, $0x38;
	[tilespmem:$0x12180] =	vst v63  }
0x162: {  	_ =	swait.ge [sflag:s12], $0x8000  }
0x163: {  	v10 =	vmul.f32 v10, v10;
	s18 =	sand.u32 $0x7800, s17;
	s5 =	sand.u32 $0x380, s17;
	v13 =	vadd.f32 v16, v13;
	[sflag:s12] =	ssyncset.done $0x0  }
0x164: {  	s18 =	sor.u32 s5, s18;
	[sflag:s12] =	ssyncadd.s32 $0xFFFF8000  }
0x165: {  	v15 =	vmul.f32 v24, v24;
	v10 =	vadd.f32 v10, v13;
	v13 =	vld [tilespmem:s18+$0x8520]  }
0x166: {  	v16 =	vld [tilespmem:s18+$0x510]  }
0x167: {  	v10 =	vadd.f32 v15, v10;
	v15 =	vld [tilespmem:s18+$0x8510]  }
0x168: {  	v18 =	vld [tilespmem:s18+$0x500]  }
0x169: {  	v5 =	vadd.f32 v5, v10;
	v10 =	vld [tilespmem:s18+$0x8500]  }
0x16a: {  	v19 =	vld [tilespmem:s18+$0x170]  }
0x16b: {  	v22 =	vld [tilespmem:s18+$0x160]  }
0x16c: {  	v23 =	vld [tilespmem:s18+$0x150]  }
0x16d: {  	v24 =	vld [tilespmem:s18+$0x8150];
	v5 =	vadd.f32 v6, v5  }
0x16e: {  	v25 =	vld [tilespmem:s18+$0x110]  }
0x16f: {  	v26 =	vld [tilespmem:s18+$0x8110];
	v5 =	vadd.f32 v7, v5  }
0x170: {  	v27 =	vld [tilespmem:s18+$0x570]  }
0x171: {  	v28 =	vld [tilespmem:s18+$0x8120];
	v5 =	vadd.f32 v9, v5  }
0x172: {  	v7 =	vld [tilespmem:s18+$0x8160]  }
0x173: {  	v29 =	vld [tilespmem:s18+$0x550];
	v5 =	vadd.f32 v11, v5  }
0x174: {  	v23 =	vsub.f32 v23, v24;
	v11 =	vld [tilespmem:s18+$0x130]  }
0x175: {  	v5 =	vadd.f32 v12, v5;
	v12 =	vld [tilespmem:s18+$0x8130]  }
0x176: {  	v14 =	vmul.f32 v14, v14;
	v6 =	vld [tilespmem:s18+$0x8170];
	v24 =	vadd.f32 v23, v24  }
0x177: {  	v25 =	vsub.f32 v25, v26;
	v9 =	vld [tilespmem:s18+$0x120];
	v22 =	vsub.f32 v22, v7  }
0x178: {  	v21 =	vmul.f32 v21, v21;
	v18 =	vsub.f32 v18, v10;
	[tilespmem:s18+$0x150] =	vst v24;
	v24 =	vld [tilespmem:s18+$0x520];
	v5 =	vadd.f32 v14, v5  }
0x179: {  	v26 =	vadd.f32 v25, v26;
	v7 =	vadd.f32 v22, v7;
	v14 =	vld [tilespmem:s18+$0x100]  }
0x17a: {  	v20 =	vmul.f32 v20, v20;
	v5 =	vadd.f32 v21, v5;
	v21 =	vld [tilespmem:s18+$0x8100];
	v11 =	vsub.f32 v11, v12  }
0x17b: {  	v19 =	vsub.f32 v19, v6;
	v10 =	vadd.f32 v18, v10;
	[tilespmem:s18+$0x160] =	vst v7;
	v7 =	vld [tilespmem:s18+$0x8550]  }
0x17c: {  	v8 =	vmul.f32 v8, v8;
	[tilespmem:s18+$0x110] =	vst v26;
	v26 =	vld [tilespmem:s18+$0x540];
	v5 =	vadd.f32 v20, v5;
	v12 =	vadd.f32 v11, v12  }
0x17d: {  	v6 =	vadd.f32 v19, v6;
	[tilespmem:s18+$0x500] =	vst v10;
	v10 =	vld [tilespmem:s18+$0x8140];
	v9 =	vsub.f32 v9, v28  }
0x17e: {  	v20 =	vld [tilespmem:s18+$0x8570];
	v5 =	vadd.f32 v8, v5;
	[tilespmem:s18+$0x130] =	vst v12;
	v12 =	vsub.f32 v16, v15  }
0x17f: {  	s19 =	simm.s32 $0x100;
	s20 =	simm.s32 $0x80;
	v16 =	vld [tilespmem:s18+$0x8540];
	v8 =	vsub.f32 v14, v21;
	v14 =	vadd.f32 v9, v28  }
0x180: {  	s4 =	sand.u32 $0x7800, s19;
	s5 =	sand.u32 $0x380, s20;
	[tilespmem:s18+$0x170] =	vst v6;
	v28 =	vsub.f32 v29, v7;
	v29 =	vld [tilespmem:s18+$0x8560];
	v6 =	vadd.f32 v12, v15;
	v15 =	vmul.f32 v17, v17  }
0x181: {  	s17 =	sor.u32 s5, s4;
	v17 =	vld [tilespmem:s18+$0x140]  }
0x182: {  	[tilespmem:s18+$0x510] =	vst v6;
	v6 =	vadd.f32 v15, v5;
	v15 =	vmul.f32 v8, v8;
	v8 =	vadd.f32 v8, v21;
	v21 =	vld [tilespmem:s17+$0x170]  }
0x183: {  	v27 =	vsub.f32 v27, v20;
	v5 =	vld [tilespmem:s17+$0x8520]  }
0x184: {  	v7 =	vadd.f32 v28, v7;
	[tilespmem:s18+$0x120] =	vst v14;
	v14 =	vld [tilespmem:s18+$0x560]  }
0x185: {  	v25 =	vmul.f32 v25, v25;
	v30 =	vld [tilespmem:s17+$0x8510];
	v6 =	vadd.f32 v15, v6;
	v15 =	vadd.f32 v27, v20  }
0x186: {  	[tilespmem:s18+$0x550] =	vst v7;
	v20 =	vsub.f32 v24, v13;
	v24 =	vld [tilespmem:s17+$0x510];
	v7 =	vsub.f32 v17, v10  }
0x187: {  	v9 =	vmul.f32 v9, v9;
	v17 =	vld [tilespmem:s17+$0x8500];
	[tilespmem:s18+$0x100] =	vst v8;
	v6 =	vadd.f32 v25, v6  }
0x188: {  	[tilespmem:s18+$0x570] =	vst v15;
	v15 =	vsub.f32 v26, v16;
	v25 =	vld [tilespmem:s17+$0x500];
	v10 =	vadd.f32 v7, v10  }
0x189: {  	v6 =	vadd.f32 v9, v6;
	v9 =	vadd.f32 v20, v13;
	v13 =	vld [tilespmem:s17+$0x8170]  }
0x18a: {  	v8 =	vmul.f32 v11, v11;
	v11 =	vadd.f32 v15, v16;
	v16 =	vld [tilespmem:s18+$0x530]  }
0x18b: {  	v31 =	vsub.f32 v14, v29;
	[tilespmem:s18+$0x140] =	vst v10;
	v10 =	vld [tilespmem:s18+$0x8530]  }
0x18c: {  	v7 =	vmul.f32 v7, v7;
	v14 =	vmul.f32 v23, v23;
	v6 =	vadd.f32 v8, v6;
	v23 =	vld [tilespmem:s17+$0x110]  }
0x18d: {  	[tilespmem:s18+$0x520] =	vst v9;
	v9 =	vadd.f32 v31, v29;
	v34 =	vld [tilespmem:s17+$0x120]  }
0x18e: {  	v8 =	vld [tilespmem:s17+$0x8160];
	[tilespmem:s18+$0x540] =	vst v11;
	v6 =	vadd.f32 v7, v6  }
0x18f: {  	v7 =	vld [tilespmem:s17+$0x150];
	[tilespmem:s18+$0x560] =	vst v9  }
0x190: {  	v9 =	vmul.f32 v22, v22;
	v11 =	vld [tilespmem:s17+$0x8150];
	v6 =	vadd.f32 v14, v6  }
0x191: {  	v14 =	vld [tilespmem:s17+$0x160]  }
0x192: {  	v19 =	vmul.f32 v19, v19;
	v26 =	vld [tilespmem:s17+$0x8110];
	v6 =	vadd.f32 v9, v6  }
0x193: {  	v22 =	vld [tilespmem:s17+$0x130];
	v16 =	vsub.f32 v16, v10  }
0x194: {  	v18 =	vmul.f32 v18, v18;
	v9 =	vld [tilespmem:s17+$0x8130];
	v6 =	vadd.f32 v19, v6  }
0x195: {  	v62 =	vld [tilespmem:s17+$0x8120];
	v10 =	vadd.f32 v16, v10;
	v29 =	vsub.f32 v7, v11  }
0x196: {  	v12 =	vmul.f32 v12, v12;
	v7 =	vld [tilespmem:s17+$0x8100];
	v61 =	vsub.f32 v14, v8;
	v6 =	vadd.f32 v18, v6  }
0x197: {  	[tilespmem:s18+$0x530] =	vst v10;
	v19 =	vsub.f32 v23, v26;
	v23 =	vsub.f32 v25, v17;
	v14 =	vld [tilespmem:s17+$0x570]  }
0x198: {  	v35 =	vld [tilespmem:s17+$0x530];
	v8 =	vadd.f32 v61, v8;
	v10 =	vadd.f32 v12, v6;
	v12 =	vmul.f32 v20, v20  }
0x199: {  	v28 =	vmul.f32 v28, v28;
	v18 =	vadd.f32 v29, v11;
	v11 =	vsub.f32 v22, v9;
	v22 =	vld [tilespmem:s17+$0x100]  }
0x19a: {  	v17 =	vadd.f32 v23, v17;
	v6 =	vld [tilespmem:s17+$0x8530];
	[tilespmem:s17+$0x160] =	vst v8;
	v8 =	vmul.f32 v16, v16;
	v10 =	vadd.f32 v12, v10  }
0x19b: {  	v15 =	vmul.f32 v15, v15;
	[tilespmem:s17+$0x150] =	vst v18;
	v18 =	vsub.f32 v21, v13;
	v20 =	vld [tilespmem:s17+$0x520];
	v9 =	vadd.f32 v11, v9  }
0x19c: {  	v31 =	vmul.f32 v31, v31;
	v21 =	vld [tilespmem:s17+$0x550];
	v12 =	vadd.f32 v19, v26;
	v26 =	vadd.f32 v8, v10  }
0x19d: {  	v16 =	vmul.f32 v27, v27;
	v27 =	vsub.f32 v34, v62;
	v25 =	vadd.f32 v18, v13;
	v13 =	vld [tilespmem:s17+$0x8540]  }
0x19e: {  	[tilespmem:s17+$0x130] =	vst v9;
	v10 =	vmul.f32 v18, v18;
	v18 =	vsub.f32 v24, v30;
	v24 =	vld [tilespmem:s17+$0x8550];
	v15 =	vadd.f32 v15, v26  }
0x19f: {  	v9 =	vmul.f32 v61, v61;
	[tilespmem:s17+$0x110] =	vst v12;
	v8 =	vmul.f32 v29, v29;
	v22 =	vsub.f32 v22, v7;
	v26 =	vld [tilespmem:s17+$0x540]  }
0x1a0: {  	[tilespmem:s17+$0x170] =	vst v25;
	v12 =	vmul.f32 v23, v23;
	v25 =	vld [tilespmem:s17+$0x8570];
	v20 =	vsub.f32 v20, v5;
	v63 =	vadd.f32 v28, v15  }
0x1a1: {  	[tilespmem:s17+$0x500] =	vst v17;
	v23 =	vld [tilespmem:s17+$0x8140];
	v17 =	vmul.f32 v18, v18;
	v29 =	vadd.f32 v18, v30;
	v18 =	vsub.f32 v35, v6  }
0x1a2: {  	s20 =	simm.s32 $0x200;
	s18 =	simm.s32 $0x100;
	v30 =	vld [tilespmem:s17+$0x140];
	v15 =	vmul.f32 v20, v20;
	v28 =	vadd.f32 v27, v62;
	v31 =	vadd.f32 v31, v63  }
.LBB2_6:
0x1a3: {  	s19 =	smov.u32 s20  }
0x1a4: {  	s4 =	sand.u32 $0x7800, s20;
	s5 =	sand.u32 $0x380, s18;
	v32 =	vmul.f32 v22, v22;
	v33 =	vmul.f32 v18, v18;
	v26 =	vsub.f32 v26, v13;
	v34 =	vld [tilespmem:s17+$0x8560];
	s19 =	sadd.s32 $0x100, s20  }
0x1a5: {  	p0 =	sne.s32 s20, $0x7F00;
	s4 =	sor.u32 s5, s4;
	v21 =	vsub.f32 v21, v24;
	v16 =	vadd.f32 v16, v31;
	[tilespmem:s17+$0x510] =	vst v29;
	v29 =	vld [tilespmem:s17+$0x560]  }
0x1a6: {  	v19 =	vmul.f32 v19, v19;
	v14 =	vsub.f32 v14, v25;
	v31 =	vld [tilespmem:s4+$0x8520];
	[tilespmem:s17+$0x120] =	vst v28;
	v28 =	vmul.f32 v26, v26  }
0x1a7: {  	v16 =	vadd.f32 v32, v16;
	v24 =	vadd.f32 v21, v24;
	v32 =	vmul.f32 v21, v21;
	v35 =	vld [tilespmem:s4+$0x510]  }
0x1a8: {  	v21 =	vmul.f32 v27, v27;
	v27 =	vsub.f32 v30, v23;
	v25 =	vadd.f32 v14, v25;
	v36 =	vld [tilespmem:s4+$0x8510]  }
0x1a9: {  	v7 =	vadd.f32 v22, v7;
	v16 =	vadd.f32 v19, v16;
	v30 =	vld [tilespmem:s4+$0x500];
	[tilespmem:s17+$0x550] =	vst v24  }
0x1aa: {  	v11 =	vmul.f32 v11, v11;
	v19 =	vadd.f32 v27, v23;
	v23 =	vmul.f32 v27, v27;
	v22 =	vld [tilespmem:s4+$0x8500];
	[tilespmem:s17+$0x570] =	vst v25  }
0x1ab: {  	v20 =	vadd.f32 v20, v5;
	v24 =	vld [tilespmem:s4+$0x170];
	[tilespmem:s17+$0x100] =	vst v7;
	v7 =	vadd.f32 v21, v16;
	v5 =	vmov v31  }
0x1ac: {  	v13 =	vadd.f32 v26, v13;
	v27 =	vsub.f32 v29, v34;
	v16 =	vmul.f32 v14, v14;
	v25 =	vld [tilespmem:s4+$0x8170];
	[tilespmem:s17+$0x140] =	vst v19  }
0x1ad: {  	v19 =	vld [tilespmem:s4+$0x160];
	v7 =	vadd.f32 v11, v7;
	[tilespmem:s17+$0x520] =	vst v20  }
0x1ae: {  	v11 =	vadd.f32 v27, v34;
	v20 =	vld [tilespmem:s4+$0x8160];
	[tilespmem:s17+$0x540] =	vst v13  }
0x1af: {  	v13 =	vld [tilespmem:s4+$0x150];
	v7 =	vadd.f32 v23, v7  }
0x1b0: {  	v23 =	vld [tilespmem:s4+$0x120];
	[tilespmem:s17+$0x560] =	vst v11  }
0x1b1: {  	v11 =	vld [tilespmem:s4+$0x8150];
	v7 =	vadd.f32 v8, v7  }
0x1b2: {  	v21 =	vld [tilespmem:s4+$0x130]  }
0x1b3: {  	v26 =	vld [tilespmem:s4+$0x110];
	v7 =	vadd.f32 v9, v7  }
0x1b4: {  	v29 =	vld [tilespmem:s4+$0x8130]  }
0x1b5: {  	v31 =	vld [tilespmem:s4+$0x8110];
	v7 =	vadd.f32 v10, v7  }
0x1b6: {  	v34 =	vld [tilespmem:s4+$0x100];
	v8 =	vsub.f32 v13, v11  }
0x1b7: {  	v6 =	vadd.f32 v18, v6;
	v14 =	vld [tilespmem:s4+$0x570];
	v9 =	vadd.f32 v12, v7  }
0x1b8: {  	v12 =	vsub.f32 v19, v20;
	v7 =	vld [tilespmem:s4+$0x8100];
	v10 =	vadd.f32 v8, v11;
	v8 =	vmul.f32 v8, v8  }
0x1b9: {  	v37 =	vld [tilespmem:s4+$0x8120];
	v11 =	vsub.f32 v21, v29;
	v13 =	vadd.f32 v17, v9;
	[tilespmem:s17+$0x530] =	vst v6;
	s17 =	smov.u32 s4  }
0x1ba: {  	v9 =	vmul.f32 v12, v12;
	v17 =	vsub.f32 v24, v25;
	v19 =	vsub.f32 v26, v31;
	[tilespmem:s17+$0x150] =	vst v10;
	v21 =	vld [tilespmem:s17+$0x550]  }
0x1bb: {  	v12 =	vadd.f32 v12, v20;
	v18 =	vld [tilespmem:s17+$0x520];
	v13 =	vadd.f32 v15, v13  }
0x1bc: {  	v20 =	vsub.f32 v30, v22;
	v15 =	vadd.f32 v11, v29;
	v10 =	vmul.f32 v17, v17;
	v6 =	vld [tilespmem:s17+$0x8530]  }
0x1bd: {  	v24 =	vadd.f32 v19, v31;
	[tilespmem:s17+$0x160] =	vst v12;
	v30 =	vld [tilespmem:s17+$0x530];
	v29 =	vadd.f32 v33, v13  }
0x1be: {  	v31 =	vsub.f32 v35, v36;
	v12 =	vmul.f32 v20, v20;
	[tilespmem:s17+$0x130] =	vst v15;
	v15 =	vadd.f32 v17, v25;
	v13 =	vld [tilespmem:s17+$0x8540]  }
.Ltmp2:
0x1bf: {  	v33 =	vmul.f32 v27, v27;
	v25 =	vadd.f32 v20, v22;
	[tilespmem:s17+$0x110] =	vst v24;
	v26 =	vld [tilespmem:s17+$0x540];
	v28 =	vadd.f32 v28, v29;
	(pc) =	sbr.rel @p0 .LBB2_6-.Ltmp2, $4  }
0x1c0: {  	v27 =	vsub.f32 v23, v37;
	v17 =	vmul.f32 v31, v31;
	[tilespmem:s17+$0x170] =	vst v15;
	v20 =	vsub.f32 v18, v5;
	v24 =	vld [tilespmem:s17+$0x8550]  }
0x1c1: {  	v22 =	vsub.f32 v34, v7;
	[tilespmem:s17+$0x500] =	vst v25;
	v25 =	vld [tilespmem:s17+$0x8570];
	v32 =	vadd.f32 v32, v28  }
0x1c2: {  	v29 =	vadd.f32 v31, v36;
	v23 =	vld [tilespmem:s17+$0x8140];
	v15 =	vmul.f32 v20, v20;
	v18 =	vsub.f32 v30, v6  }
0x1c3: {  	s18 =	sadd.s32 $0x80, s18;
	s20 =	smov.u32 s19;
	v28 =	vadd.f32 v27, v37;
	v30 =	vld [tilespmem:s17+$0x140];
	v31 =	vadd.f32 v33, v32  }
0x1c4: {  	_ = 	snop  }
0x1c5: {  	v32 =	vmul.f32 v22, v22;
	v16 =	vadd.f32 v16, v31;
	_ =	sdelay $0x1  }
0x1c6: {  	v19 =	vmul.f32 v19, v19;
	v16 =	vadd.f32 v32, v16;
	_ =	sdelay $0x1  }
0x1c7: {  	v27 =	vmul.f32 v27, v27;
	v16 =	vadd.f32 v19, v16;
	_ =	sdelay $0x1  }
0x1c8: {  	v11 =	vmul.f32 v11, v11;
	v51 =	vsub.f32 v30, v23;
	v16 =	vadd.f32 v27, v16;
	_ =	sdelay $0x1  }
0x1c9: {  	v52 =	vmul.f32 v51, v51;
	v11 =	vadd.f32 v11, v16;
	_ =	sdelay $0x1  }
0x1ca: {  	v11 =	vadd.f32 v52, v11;
	_ =	sdelay $0x1  }
0x1cb: {  	v8 =	vadd.f32 v8, v11;
	_ =	sdelay $0x1  }
0x1cc: {  	v8 =	vadd.f32 v9, v8;
	_ =	sdelay $0x1  }
0x1cd: {  	v8 =	vadd.f32 v10, v8;
	_ =	sdelay $0x1  }
0x1ce: {  	v53 =	vld [tilespmem:s17+$0x8560];
	v8 =	vadd.f32 v12, v8  }
0x1cf: {  	v55 =	vld [tilespmem:s17+$0x560];
	v58 =	vsub.f32 v26, v13;
	v7 =	vadd.f32 v22, v7  }
0x1d0: {  	[tilespmem:s17+$0x510] =	vst v29;
	v5 =	vadd.f32 v20, v5;
	v8 =	vadd.f32 v17, v8  }
0x1d1: {  	v6 =	vadd.f32 v18, v6;
	v54 =	vsub.f32 v21, v24;
	[tilespmem:s17+$0x120] =	vst v28  }
0x1d2: {  	v60 =	vmul.f32 v18, v18;
	v56 =	vsub.f32 v14, v25;
	[tilespmem:s17+$0x100] =	vst v7;
	v8 =	vadd.f32 v15, v8  }
0x1d3: {  	v63 =	vadd.f32 v58, v13;
	[tilespmem:s17+$0x520] =	vst v5;
	v57 =	vadd.f32 v54, v24  }
0x1d4: {  	v62 =	vmul.f32 v58, v58;
	[tilespmem:s17+$0x530] =	vst v6;
	v7 =	vsub.f32 v55, v53;
	v8 =	vadd.f32 v60, v8  }
0x1d5: {  	v59 =	vadd.f32 v56, v25;
	[tilespmem:s17+$0x540] =	vst v63  }
0x1d6: {  	[tilespmem:s17+$0x550] =	vst v57;
	v5 =	vadd.f32 v7, v53;
	v10 =	vmul.f32 v54, v54;
	v8 =	vadd.f32 v62, v8  }
0x1d7: {  	v61 =	vadd.f32 v51, v23;
	[tilespmem:s17+$0x570] =	vst v59  }
0x1d8: {  	[tilespmem:s17+$0x560] =	vst v5;
	v5 =	vmul.f32 v7, v7;
	v7 =	vadd.f32 v10, v8  }
0x1d9: {  	[tilespmem:s17+$0x140] =	vst v61  }
0x1da: {  	v6 =	vmul.f32 v56, v56;
	[hbm4b:s9+s3] =	stream.linear.scatter [tilespmem:s16], [sflag:$0x2], $0x8000, $0x38;
	v5 =	vadd.f32 v5, v7;
	[tilespmem:$0x12180] =	vst v63  }
0x1db: {  	_ =	swait.ge [sflag:s12], $0x8000  }
0x1dc: {  	s15 =	sadd.s32 $0x1, s15;
	[sflag:s12] =	ssyncset.done $0x0;
	v5 =	vadd.f32 v6, v5  }
0x1dd: {  	p0 =	sne.s32 s15, s11;
	[sflag:s12] =	ssyncadd.s32 $0xFFFF8000  }
.Ltmp3:
0x1de: {  	s4 =	simm.s32 $0x12100;
	[tilespmem:$0x12100] =	vst v5;
	(pc) =	sbr.rel @p0 .LBB2_1-.Ltmp3, $4  }
0x1df: {  	[hbm4b:s10+s3] =	stream.linear.scatter [tilespmem:s4], [sflag:$0x2], $0x80, $0x38;
	[tilespmem:$0x12180] =	vst v63  }
0x1e0: {  	_ =	swait.ge [sflag:s12], $0x80  }
0x1e1: {  	[sflag:s12] =	ssyncset.done $0x0  }
0x1e2: {  	[sflag:s12] =	ssyncadd.s32 $0xFFFFFF80  }
0x1e3: {  	_ =	sfence.sel $0x180000  }
0x1e4: {  	[bflag:$0x0] =	sbarrier.arrive $0xFFFF  }
0x1e5: {  	_ =	strace $0x90000047  }
0x1e6: {  	s0 =	stileid.u32;
	[bflag:$0x2] =	sbarrier.arrive $0xFFFF  }
0x1e7: {  	p0 =	sne.s32 s0, $0x0;
	s0 =	rddreg [dreg:$0x4]  }
0x1e8: {  	s0 =	sadd.s32 @!p0 $0x100000, s0  }
0x1e9: {  	[sflag:s0] =	ssyncadd.tile.s32 @!p0 $0x1;
	_ =	shalt  }
.Lfunc_end2:
_tile_overlayer_lowered:
.L_overlay_start_2:
0x1ea: {  	(tag) =	ssettag $0x2  }
0x1eb: {  	s0 =	rddreg [dreg:$0x0];
	s2 =	stileid.u32  }
0x1ec: {  	s1 =	rddreg [dreg:$0x1];
	p0 =	sne.s32 s2, $0x0  }
0x1ed: {  	s3 =	rddreg [dreg:$0x2];
	[bflag:$0x3] =	sbarrier.arrive $0xFFFF;
	s2 =	simm.s32 @!p0 $0x1C02  }
0x1ee: {  	[timem:s3], [sflag:s2] =	dma.local @!p0 [hbm:s0], s1  }
0x1ef: {  	s0 =	simm.s32 @!p0 $0x2  }
0x1f0: {  	_ =	swait.ge @!p0 [sflag:s0], s1  }
0x1f1: {  	s1 =	ssub.s32 @!p0 $0x0, s1;
	[sflag:s0] =	ssyncset.done @!p0 $0x0  }
0x1f2: {  	[sflag:s0] =	ssyncadd.s32 @!p0 s1  }
0x1f3: {  	[bflag:$0x3] =	sbarrier.arrive $0xFFFF  }
0x1f4: {  	_ =	shalt  }

</sc_bundles>
